<compile_context>
chip_gen: v7x
topology: tpu7x:2x2x1
jax: 0.10.2.dev20260603
libtpu: 0.0.44.dev20260713+nightly
codegen_flags: <defaults>
</compile_context>

<pallas_src>
import functools

import jax
import jax.numpy as jnp
from jax import lax
from jax.experimental import pallas as pl
from jax.experimental.pallas import tpu as pltpu
from jax.experimental.pallas import tpu_sc as plsc

N_NODES = 10000
D = 128
NC = 2
NS = 16
NW = NC * NS
CHUNK = 125
IDXG = 8
ACC_ROWS = N_NODES


def _make_seg_kernel(nch: int):
    mesh = plsc.VectorSubcoreMesh(core_axis_name="c", subcore_axis_name="s")

    @functools.partial(
        pl.kernel,
        out_type=jax.ShapeDtypeStruct((NC, N_NODES, D), jnp.float32),
        mesh=mesh,
        scratch_types=[
            pltpu.VMEM((2 * IDXG, CHUNK), jnp.int32),
            pltpu.VMEM((2 * IDXG, CHUNK), jnp.int32),
            pltpu.VMEM((2, CHUNK, D), jnp.float32),
            pltpu.VMEM_SHARED((ACC_ROWS, D), jnp.float32),
            pltpu.SemaphoreType.DMA,
            pltpu.SemaphoreType.DMA,
            pltpu.SemaphoreType.DMA,
            pltpu.SemaphoreType.DMA,
        ],
    )
    def seg(x_hbm, edges_hbm, out_hbm, src_v, dst_v, rows_v, acc, sem0,
            sem1, isem0, isem1):
        cid = lax.axis_index("c")
        sid = lax.axis_index("s")
        wid = cid * NS + sid

        def zrow(r, carry):
            for c8 in range(D // 16):
                rows_v[0, r, pl.ds(c8 * 16, 16)] = jnp.zeros((16,), jnp.float32)
            return carry

        lax.fori_loop(0, CHUNK, zrow, 0)
        zpt = ACC_ROWS // NS
        for k in range(zpt // CHUNK):
            pltpu.sync_copy(rows_v.at[0],
                            acc.at[pl.ds(sid * zpt + k * CHUNK, CHUNK)])
        plsc.subcore_barrier()

        NH = nch // IDXG

        def start_gather(r, b, sem):
            pltpu.async_copy(x_hbm.at[src_v.at[r]], rows_v.at[b], sem)

        def wait_gather(r, b, sem):
            pltpu.make_async_copy(x_hbm.at[src_v.at[r]], rows_v.at[b], sem).wait()

        def scatter(r, b):
            pltpu.sync_copy(rows_v.at[b], acc.at[dst_v.at[r]], add=True)

        def load_idx_async(h, p):
            base = wid * nch + h * IDXG
            pltpu.async_copy(edges_hbm.at[0, pl.ds(base, IDXG)],
                             src_v.at[pl.ds(p * IDXG, IDXG)], isem0)
            pltpu.async_copy(edges_hbm.at[1, pl.ds(base, IDXG)],
                             dst_v.at[pl.ds(p * IDXG, IDXG)], isem1)

        def wait_idx(h, p):
            base = wid * nch + h * IDXG
            pltpu.make_async_copy(edges_hbm.at[0, pl.ds(base, IDXG)],
                                  src_v.at[pl.ds(p * IDXG, IDXG)], isem0).wait()
            pltpu.make_async_copy(edges_hbm.at[1, pl.ds(base, IDXG)],
                                  dst_v.at[pl.ds(p * IDXG, IDXG)], isem1).wait()

        pltpu.sync_copy(edges_hbm.at[0, pl.ds(wid * nch, IDXG)],
                        src_v.at[pl.ds(0, IDXG)])
        pltpu.sync_copy(edges_hbm.at[1, pl.ds(wid * nch, IDXG)],
                        dst_v.at[pl.ds(0, IDXG)])
        start_gather(0, 0, sem0)
        start_gather(1, 1, sem1)

        def super_(sg, carry):
            for p in (0, 1):
                h = 2 * sg + p

                @pl.when(h + 1 < NH)
                def _():
                    load_idx_async(h + 1, 1 - p)

                def pair(k, c2):
                    r0 = p * IDXG + 2 * k
                    wait_gather(r0, 0, sem0)
                    scatter(r0, 0)
                    start_gather(r0 + 2, 0, sem0)
                    wait_gather(r0 + 1, 1, sem1)
                    scatter(r0 + 1, 1)
                    start_gather(r0 + 3, 1, sem1)
                    return c2

                lax.fori_loop(0, IDXG // 2 - 1, pair, 0)

                rl = p * IDXG + IDXG - 2

                @pl.when(h + 1 < NH)
                def _():
                    wait_idx(h + 1, 1 - p)

                wait_gather(rl, 0, sem0)
                scatter(rl, 0)

                @pl.when(h + 1 < NH)
                def _():
                    start_gather((1 - p) * IDXG, 0, sem0)

                wait_gather(rl + 1, 1, sem1)
                scatter(rl + 1, 1)

                @pl.when(h + 1 < NH)
                def _():
                    start_gather((1 - p) * IDXG + 1, 1, sem1)

            return carry

        lax.fori_loop(0, NH // 2, super_, 0)
        plsc.subcore_barrier()

        rpt = 624
        tail = N_NODES - (NS - 1) * rpt

        @pl.when(sid != NS - 1)
        def _():
            pltpu.sync_copy(acc.at[pl.ds(sid * rpt, rpt)],
                            out_hbm.at[cid, pl.ds(sid * rpt, rpt)])

        @pl.when(sid == NS - 1)
        def _():
            pltpu.sync_copy(acc.at[pl.ds((NS - 1) * rpt, tail)],
                            out_hbm.at[cid, pl.ds((NS - 1) * rpt, tail)])

    return seg


def _dense_mlp(partial, x, W_conv, W_self, bc2, W1, b12, W2, b22, W3t, b3s):
    RB = 2000
    grid = (N_NODES // RB,)

    def body(p_ref, x_ref, wc, ws, bc_r, w1, b1_r, w2, b2_r, w3t, b3_r, o_ref):
        agg = p_ref[0] + p_ref[1]
        h = agg @ wc[...] + x_ref[...] @ ws[...] + bc_r[...]
        h = jnp.maximum(h, 0.0)
        h = jnp.maximum(h @ w1[...] + b1_r[...], 0.0)
        h = jnp.maximum(h @ w2[...] + b2_r[...], 0.0)
        z = lax.dot_general(w3t[...], h, (((1,), (1,)), ((), ())),
                            preferred_element_type=jnp.float32)
        z = jnp.maximum(z + b3_r[...], 0.0)
        o_ref[...] = jax.nn.sigmoid(z).reshape(1, 1, RB)

    full = lambda i: (0, 0)
    return pl.pallas_call(
        body,
        grid=grid,
        in_specs=[
            pl.BlockSpec((NC, RB, D), lambda i: (0, i, 0)),
            pl.BlockSpec((RB, D), lambda i: (i, 0)),
            pl.BlockSpec((D, D), full),
            pl.BlockSpec((D, D), full),
            pl.BlockSpec((1, D), full),
            pl.BlockSpec((D, D), full),
            pl.BlockSpec((1, D), full),
            pl.BlockSpec((D, D), full),
            pl.BlockSpec((1, D), full),
            pl.BlockSpec((1, D), full),
            pl.BlockSpec((1, 1), full),
        ],
        out_specs=pl.BlockSpec((1, 1, RB), lambda i: (i, 0, 0)),
        out_shape=jax.ShapeDtypeStruct((N_NODES // RB, 1, RB), jnp.float32),
    )(partial, x, W_conv, W_self, bc2, W1, b12, W2, b22, W3t, b3s)


def kernel(x, edge_index, W_conv, W_self, b_conv, W1, b1, W2, b2, W3, b3):
    E = edge_index.shape[1]

    assert E % (NW * CHUNK) == 0, "edge count must divide into 125-edge chunks"
    nch = E // (NW * CHUNK)
    assert nch % (2 * IDXG) == 0
    edges = edge_index.astype(jnp.int32).reshape(2, NW * nch, CHUNK)

    partial = _make_seg_kernel(nch)(x, edges)

    bc2 = b_conv.reshape(1, D)
    b12 = b1.reshape(1, D)
    b22 = b2.reshape(1, D)
    W3t = W3.reshape(1, D)
    b3s = b3.reshape(1, 1)

    out = _dense_mlp(partial, x, W_conv, W_self, bc2, W1, b12, W2, b22, W3t, b3s)
    return out.reshape(N_NODES)

# --- scband reference (transcript-rebuilt; emitter-appended) ---
"""Pipeline reference for scband-graph-convolutions-with-mlp-39805756899371 (READ-ONLY COPY).

The authoritative reference and input builder live on the scoring server;
editing this copy changes nothing except your own understanding.
"""

import jax, jax.numpy as jnp
import numpy as np

N_NODES = 10000
N_EDGES = 320000
D = 128


def setup_inputs(seed: int = 0) -> dict:
    key = jax.random.key(seed)
    ks = jax.random.split(key, 12)
    x = jax.random.normal(ks[0], (N_NODES, D), dtype=jnp.float32)
    edge_index = jax.random.randint(ks[1], (2, N_EDGES), 0, N_NODES, dtype=jnp.int64)
    # One GCN-style conv layer (base class leaves conv_layers to subclasses; we
    # materialize a single message-passing conv so embed() is well-defined).
    W_conv = jax.random.normal(ks[2], (D, D), dtype=jnp.float32) * (1.0 / np.sqrt(D))
    W_self = jax.random.normal(ks[3], (D, D), dtype=jnp.float32) * (1.0 / np.sqrt(D))
    b_conv = jnp.zeros((D,), dtype=jnp.float32)
    # MLP: hidden_layers=2 -> Linear(D, D), Linear(D, D), Linear(D, 1)
    W1 = jax.random.normal(ks[4], (D, D), dtype=jnp.float32) * (1.0 / np.sqrt(D))
    b1 = jnp.zeros((D,), dtype=jnp.float32)
    W2 = jax.random.normal(ks[5], (D, D), dtype=jnp.float32) * (1.0 / np.sqrt(D))
    b2 = jnp.zeros((D,), dtype=jnp.float32)
    W3 = jax.random.normal(ks[6], (D, 1), dtype=jnp.float32) * (1.0 / np.sqrt(D))
    b3 = jnp.zeros((1,), dtype=jnp.float32)
    return {"x": x, "edge_index": edge_index, "W_conv": W_conv, "W_self": W_self,
            "b_conv": b_conv, "W1": W1, "b1": b1, "W2": W2, "b2": b2, "W3": W3, "b3": b3}


def reference(x, edge_index, W_conv, W_self, b_conv, W1, b1, W2, b2, W3, b3):
    src = edge_index[0]
    dst = edge_index[1]
    # conv layer: gather neighbor features, transform, scatter-add to dst nodes
    msg = jnp.take(x, src, axis=0) @ W_conv
    agg = jax.ops.segment_sum(msg, dst, num_segments=x.shape[0])
    h = jax.nn.relu(agg + x @ W_self + b_conv)
    # MLP (nonlinearity applied after every mlp layer, per the torch forward)
    h = jax.nn.relu(h @ W1 + b1)
    h = jax.nn.relu(h @ W2 + b2)
    h = jax.nn.relu(h @ W3 + b3)
    # outputF = sigmoid, then flatten
    return jax.nn.sigmoid(h).flatten()

if __name__ == "__main__":
    import jax
    _d = setup_inputs()
    print(jax.jit(kernel)(*tuple(_d.values())))

</pallas_src>

<mosaic_0001>
#map = affine_map<(d0, d1) -> (0, 0)>
#map1 = affine_map<(d0, d1) -> (0, 0, 0)>
module attributes {stable_mosaic.version = 14 : i64} {
  func.func @seg(%arg0: i32, %arg1: i32, %arg2: memref<10000x128xf32, #tpu.memory_space<hbm>>, %arg3: memref<2x2560x125xi32, #tpu.memory_space<hbm>>, %arg4: memref<2x10000x128xf32, #tpu.memory_space<hbm>>, %arg5: memref<16x125xi32, #tpu.memory_space<vmem>>, %arg6: memref<16x125xi32, #tpu.memory_space<vmem>>, %arg7: memref<2x125x128xf32, #tpu.memory_space<vmem>>, %arg8: memref<10000x128xf32, #tpu.memory_space<vmem_shared>>, %arg9: memref<!tpu.dma_semaphore, #tpu.memory_space<semaphore_mem>>, %arg10: memref<!tpu.dma_semaphore, #tpu.memory_space<semaphore_mem>>, %arg11: memref<!tpu.dma_semaphore, #tpu.memory_space<semaphore_mem>>, %arg12: memref<!tpu.dma_semaphore, #tpu.memory_space<semaphore_mem>>) attributes {dimension_semantics = [#tpu.dimension_semantics<core_parallel>, #tpu.dimension_semantics<subcore_parallel>], iteration_bounds = array<i64: 2, 16>, scalar_prefetch = 0 : i64, scratch_operands = 8 : i64, tpu.core_type = #tpu.core_type<sc_vector_subcore>, window_params = [{transform_indices = #map}, {transform_indices = #map1}, {transform_indices = #map1}]} {
    %mul3A = arith.constant 16 : i32
    %mul3A_0 = arith.muli %arg0, %mul3A : i32
    %add3A = arith.addi %mul3A_0, %arg1 : i32
    %scan3A = arith.constant 0 : i32
    %scan3A_1 = arith.constant 0 : i32
    %scan3A_2 = arith.constant 125 : i32
    %scan3A_3 = arith.addi %scan3A_1, %scan3A_2 : i32
    %scan3A_4 = arith.constant 1 : i32
    scf.for %scan3A_72 = %scan3A_1 to %scan3A_3 step %scan3A_4  : i32 {
      %broadcast_in_dim3A = arith.constant 0.000000e+00 : f32
      %broadcast_in_dim3A_73 = vector.broadcast %broadcast_in_dim3A : f32 to vector<16xf32>
      %swap3A = arith.constant 0 : i32
      %swap3A_74 = arith.index_cast %swap3A : i32 to index
      %swap3A_75 = arith.index_cast %scan3A_72 : i32 to index
      %swap3A_76 = arith.constant 0 : index
      %swap3A_77 = tpu.vector_load %arg7[%swap3A_74, %swap3A_75, %swap3A_76] {strides = array<i32>} : memref<2x125x128xf32, #tpu.memory_space<vmem>>, vector<1x1x16xf32>,
      %swap3A_78 = vector.shape_cast %swap3A_77 : vector<1x1x16xf32> to vector<16xf32>
      %swap3A_79 = vector.shape_cast %broadcast_in_dim3A_73 : vector<16xf32> to vector<1x1x16xf32>
      tpu.vector_store %arg7[%swap3A_74, %swap3A_75, %swap3A_76], %swap3A_79 {strides = array<i32>} : memref<2x125x128xf32, #tpu.memory_space<vmem>>, vector<1x1x16xf32>,
      %broadcast_in_dim3A_80 = arith.constant 0.000000e+00 : f32
      %broadcast_in_dim3A_81 = vector.broadcast %broadcast_in_dim3A_80 : f32 to vector<16xf32>
      %swap3A_82 = arith.constant 0 : i32
      %swap3A_83 = arith.index_cast %swap3A_82 : i32 to index
      %swap3A_84 = arith.index_cast %scan3A_72 : i32 to index
      %swap3A_85 = arith.constant 16 : index
      %swap3A_86 = tpu.vector_load %arg7[%swap3A_83, %swap3A_84, %swap3A_85] {strides = array<i32>} : memref<2x125x128xf32, #tpu.memory_space<vmem>>, vector<1x1x16xf32>,
      %swap3A_87 = vector.shape_cast %swap3A_86 : vector<1x1x16xf32> to vector<16xf32>
      %swap3A_88 = vector.shape_cast %broadcast_in_dim3A_81 : vector<16xf32> to vector<1x1x16xf32>
      tpu.vector_store %arg7[%swap3A_83, %swap3A_84, %swap3A_85], %swap3A_88 {strides = array<i32>} : memref<2x125x128xf32, #tpu.memory_space<vmem>>, vector<1x1x16xf32>,
      %broadcast_in_dim3A_89 = arith.constant 0.000000e+00 : f32
      %broadcast_in_dim3A_90 = vector.broadcast %broadcast_in_dim3A_89 : f32 to vector<16xf32>
      %swap3A_91 = arith.constant 0 : i32
      %swap3A_92 = arith.index_cast %swap3A_91 : i32 to index
      %swap3A_93 = arith.index_cast %scan3A_72 : i32 to index
      %swap3A_94 = arith.constant 32 : index
      %swap3A_95 = tpu.vector_load %arg7[%swap3A_92, %swap3A_93, %swap3A_94] {strides = array<i32>} : memref<2x125x128xf32, #tpu.memory_space<vmem>>, vector<1x1x16xf32>,
      %swap3A_96 = vector.shape_cast %swap3A_95 : vector<1x1x16xf32> to vector<16xf32>
      %swap3A_97 = vector.shape_cast %broadcast_in_dim3A_90 : vector<16xf32> to vector<1x1x16xf32>
      tpu.vector_store %arg7[%swap3A_92, %swap3A_93, %swap3A_94], %swap3A_97 {strides = array<i32>} : memref<2x125x128xf32, #tpu.memory_space<vmem>>, vector<1x1x16xf32>,
      %broadcast_in_dim3A_98 = arith.constant 0.000000e+00 : f32
      %broadcast_in_dim3A_99 = vector.broadcast %broadcast_in_dim3A_98 : f32 to vector<16xf32>
      %swap3A_100 = arith.constant 0 : i32
      %swap3A_101 = arith.index_cast %swap3A_100 : i32 to index
      %swap3A_102 = arith.index_cast %scan3A_72 : i32 to index
      %swap3A_103 = arith.constant 48 : index
      %swap3A_104 = tpu.vector_load %arg7[%swap3A_101, %swap3A_102, %swap3A_103] {strides = array<i32>} : memref<2x125x128xf32, #tpu.memory_space<vmem>>, vector<1x1x16xf32>,
      %swap3A_105 = vector.shape_cast %swap3A_104 : vector<1x1x16xf32> to vector<16xf32>
      %swap3A_106 = vector.shape_cast %broadcast_in_dim3A_99 : vector<16xf32> to vector<1x1x16xf32>
      tpu.vector_store %arg7[%swap3A_101, %swap3A_102, %swap3A_103], %swap3A_106 {strides = array<i32>} : memref<2x125x128xf32, #tpu.memory_space<vmem>>, vector<1x1x16xf32>,
      %broadcast_in_dim3A_107 = arith.constant 0.000000e+00 : f32
      %broadcast_in_dim3A_108 = vector.broadcast %broadcast_in_dim3A_107 : f32 to vector<16xf32>
      %swap3A_109 = arith.constant 0 : i32
      %swap3A_110 = arith.index_cast %swap3A_109 : i32 to index
      %swap3A_111 = arith.index_cast %scan3A_72 : i32 to index
      %swap3A_112 = arith.constant 64 : index
      %swap3A_113 = tpu.vector_load %arg7[%swap3A_110, %swap3A_111, %swap3A_112] {strides = array<i32>} : memref<2x125x128xf32, #tpu.memory_space<vmem>>, vector<1x1x16xf32>,
      %swap3A_114 = vector.shape_cast %swap3A_113 : vector<1x1x16xf32> to vector<16xf32>
      %swap3A_115 = vector.shape_cast %broadcast_in_dim3A_108 : vector<16xf32> to vector<1x1x16xf32>
      tpu.vector_store %arg7[%swap3A_110, %swap3A_111, %swap3A_112], %swap3A_115 {strides = array<i32>} : memref<2x125x128xf32, #tpu.memory_space<vmem>>, vector<1x1x16xf32>,
      %broadcast_in_dim3A_116 = arith.constant 0.000000e+00 : f32
      %broadcast_in_dim3A_117 = vector.broadcast %broadcast_in_dim3A_116 : f32 to vector<16xf32>
      %swap3A_118 = arith.constant 0 : i32
      %swap3A_119 = arith.index_cast %swap3A_118 : i32 to index
      %swap3A_120 = arith.index_cast %scan3A_72 : i32 to index
      %swap3A_121 = arith.constant 80 : index
      %swap3A_122 = tpu.vector_load %arg7[%swap3A_119, %swap3A_120, %swap3A_121] {strides = array<i32>} : memref<2x125x128xf32, #tpu.memory_space<vmem>>, vector<1x1x16xf32>,
      %swap3A_123 = vector.shape_cast %swap3A_122 : vector<1x1x16xf32> to vector<16xf32>
      %swap3A_124 = vector.shape_cast %broadcast_in_dim3A_117 : vector<16xf32> to vector<1x1x16xf32>
      tpu.vector_store %arg7[%swap3A_119, %swap3A_120, %swap3A_121], %swap3A_124 {strides = array<i32>} : memref<2x125x128xf32, #tpu.memory_space<vmem>>, vector<1x1x16xf32>,
      %broadcast_in_dim3A_125 = arith.constant 0.000000e+00 : f32
      %broadcast_in_dim3A_126 = vector.broadcast %broadcast_in_dim3A_125 : f32 to vector<16xf32>
      %swap3A_127 = arith.constant 0 : i32
      %swap3A_128 = arith.index_cast %swap3A_127 : i32 to index
      %swap3A_129 = arith.index_cast %scan3A_72 : i32 to index
      %swap3A_130 = arith.constant 96 : index
      %swap3A_131 = tpu.vector_load %arg7[%swap3A_128, %swap3A_129, %swap3A_130] {strides = array<i32>} : memref<2x125x128xf32, #tpu.memory_space<vmem>>, vector<1x1x16xf32>,
      %swap3A_132 = vector.shape_cast %swap3A_131 : vector<1x1x16xf32> to vector<16xf32>
      %swap3A_133 = vector.shape_cast %broadcast_in_dim3A_126 : vector<16xf32> to vector<1x1x16xf32>
      tpu.vector_store %arg7[%swap3A_128, %swap3A_129, %swap3A_130], %swap3A_133 {strides = array<i32>} : memref<2x125x128xf32, #tpu.memory_space<vmem>>, vector<1x1x16xf32>,
      %broadcast_in_dim3A_134 = arith.constant 0.000000e+00 : f32
      %broadcast_in_dim3A_135 = vector.broadcast %broadcast_in_dim3A_134 : f32 to vector<16xf32>
      %swap3A_136 = arith.constant 0 : i32
      %swap3A_137 = arith.index_cast %swap3A_136 : i32 to index
      %swap3A_138 = arith.index_cast %scan3A_72 : i32 to index
      %swap3A_139 = arith.constant 112 : index
      %swap3A_140 = tpu.vector_load %arg7[%swap3A_137, %swap3A_138, %swap3A_139] {strides = array<i32>} : memref<2x125x128xf32, #tpu.memory_space<vmem>>, vector<1x1x16xf32>,
      %swap3A_141 = vector.shape_cast %swap3A_140 : vector<1x1x16xf32> to vector<16xf32>
      %swap3A_142 = vector.shape_cast %broadcast_in_dim3A_135 : vector<16xf32> to vector<1x1x16xf32>
      tpu.vector_store %arg7[%swap3A_137, %swap3A_138, %swap3A_139], %swap3A_142 {strides = array<i32>} : memref<2x125x128xf32, #tpu.memory_space<vmem>>, vector<1x1x16xf32>,
    }
    %scan3A_5 = arith.constant 125 : i32
    %mul3A_6 = arith.constant 625 : i32
    %mul3A_7 = arith.muli %arg1, %mul3A_6 : i32
    %add3A_8 = arith.constant 0 : i32
    %add3A_9 = arith.addi %mul3A_7, %add3A_8 : i32
    %run_scoped3A = arith.constant 0 : i32
    "tpu.region"() ({
      %run_scoped3A_72 = tpu.sem_alloc : memref<!tpu.dma_semaphore, #tpu.memory_space<semaphore_mem>>
      %dma_start3A_73 = arith.constant 0 : i32
      %dma_start3A_74 = arith.constant 0 : i32
      %dma_start3A_75 = tpu.memref_slice %arg7[%run_scoped3A, %dma_start3A_73, %dma_start3A_74] : memref<2x125x128xf32, #tpu.memory_space<vmem>> -> memref<1x125x128xf32, #tpu.memory_space<vmem>>
      %dma_start3A_76 = tpu.memref_squeeze %dma_start3A_75 : memref<1x125x128xf32, #tpu.memory_space<vmem>> -> memref<125x128xf32, #tpu.memory_space<vmem>>
      %dma_start3A_77 = arith.constant 0 : i32
      %dma_start3A_78 = tpu.memref_slice %arg8[%add3A_9, %dma_start3A_77] : memref<10000x128xf32, #tpu.memory_space<vmem_shared>> -> memref<125x128xf32, #tpu.memory_space<vmem_shared>>
      %dma_start3A_79 = arith.constant 0 : i32
      %dma_start3A_80 = tpu.memref_slice %arg8[%add3A_9, %dma_start3A_79] : memref<10000x128xf32, #tpu.memory_space<vmem_shared>> -> memref<125x128xf32, #tpu.memory_space<vmem_shared>>
      %dma_start3A_81 = arith.constant 0 : i32
      %dma_start3A_82 = arith.constant 0 : i32
      %dma_start3A_83 = tpu.memref_slice %arg7[%run_scoped3A, %dma_start3A_81, %dma_start3A_82] : memref<2x125x128xf32, #tpu.memory_space<vmem>> -> memref<1x125x128xf32, #tpu.memory_space<vmem>>
      %dma_start3A_84 = tpu.memref_squeeze %dma_start3A_83 : memref<1x125x128xf32, #tpu.memory_space<vmem>> -> memref<125x128xf32, #tpu.memory_space<vmem>>
      tpu.enqueue_dma source(%dma_start3A_84 : memref<125x128xf32, #tpu.memory_space<vmem>>) target(%dma_start3A_80 : memref<125x128xf32, #tpu.memory_space<vmem_shared>>) target_semaphore(%run_scoped3A_72 : memref<!tpu.dma_semaphore, #tpu.memory_space<semaphore_mem>>)
      %dma_wait3A = arith.constant 0 : i32
      %dma_wait3A_85 = arith.constant 0 : i32
      %dma_wait3A_86 = tpu.memref_slice %arg7[%run_scoped3A, %dma_wait3A, %dma_wait3A_85] : memref<2x125x128xf32, #tpu.memory_space<vmem>> -> memref<1x125x128xf32, #tpu.memory_space<vmem>>
      %dma_wait3A_87 = tpu.memref_squeeze %dma_wait3A_86 : memref<1x125x128xf32, #tpu.memory_space<vmem>> -> memref<125x128xf32, #tpu.memory_space<vmem>>
      %dma_wait3A_88 = arith.constant 0 : i32
      %dma_wait3A_89 = tpu.memref_slice %arg8[%add3A_9, %dma_wait3A_88] : memref<10000x128xf32, #tpu.memory_space<vmem_shared>> -> memref<125x128xf32, #tpu.memory_space<vmem_shared>>
      %dma_wait3A_90 = arith.constant 0 : i32
      %dma_wait3A_91 = tpu.memref_slice %arg8[%add3A_9, %dma_wait3A_90] : memref<10000x128xf32, #tpu.memory_space<vmem_shared>> -> memref<125x128xf32, #tpu.memory_space<vmem_shared>>
      %dma_wait3A_92 = arith.constant 0 : i32
      %dma_wait3A_93 = arith.constant 0 : i32
      %dma_wait3A_94 = tpu.memref_slice %arg7[%run_scoped3A, %dma_wait3A_92, %dma_wait3A_93] : memref<2x125x128xf32, #tpu.memory_space<vmem>> -> memref<1x125x128xf32, #tpu.memory_space<vmem>>
      %dma_wait3A_95 = tpu.memref_squeeze %dma_wait3A_94 : memref<1x125x128xf32, #tpu.memory_space<vmem>> -> memref<125x128xf32, #tpu.memory_space<vmem>>
      tpu.wait_dma2 semaphore(%run_scoped3A_72 : memref<!tpu.dma_semaphore, #tpu.memory_space<semaphore_mem>>) src(%dma_wait3A_95 : memref<125x128xf32, #tpu.memory_space<vmem>>) dst(%dma_wait3A_91 : memref<125x128xf32, #tpu.memory_space<vmem_shared>>)
      tpu.yield
    }) : () -> ()
    %mul3A_10 = arith.constant 625 : i32
    %mul3A_11 = arith.muli %arg1, %mul3A_10 : i32
    %add3A_12 = arith.constant 125 : i32
    %add3A_13 = arith.addi %mul3A_11, %add3A_12 : i32
    %run_scoped3A_14 = arith.constant 0 : i32
    "tpu.region"() ({
      %run_scoped3A_72 = tpu.sem_alloc : memref<!tpu.dma_semaphore, #tpu.memory_space<semaphore_mem>>
      %dma_start3A_73 = arith.constant 0 : i32
      %dma_start3A_74 = arith.constant 0 : i32
      %dma_start3A_75 = tpu.memref_slice %arg7[%run_scoped3A_14, %dma_start3A_73, %dma_start3A_74] : memref<2x125x128xf32, #tpu.memory_space<vmem>> -> memref<1x125x128xf32, #tpu.memory_space<vmem>>
      %dma_start3A_76 = tpu.memref_squeeze %dma_start3A_75 : memref<1x125x128xf32, #tpu.memory_space<vmem>> -> memref<125x128xf32, #tpu.memory_space<vmem>>
      %dma_start3A_77 = arith.constant 0 : i32
      %dma_start3A_78 = tpu.memref_slice %arg8[%add3A_13, %dma_start3A_77] : memref<10000x128xf32, #tpu.memory_space<vmem_shared>> -> memref<125x128xf32, #tpu.memory_space<vmem_shared>>
      %dma_start3A_79 = arith.constant 0 : i32
      %dma_start3A_80 = tpu.memref_slice %arg8[%add3A_13, %dma_start3A_79] : memref<10000x128xf32, #tpu.memory_space<vmem_shared>> -> memref<125x128xf32, #tpu.memory_space<vmem_shared>>
      %dma_start3A_81 = arith.constant 0 : i32
      %dma_start3A_82 = arith.constant 0 : i32
      %dma_start3A_83 = tpu.memref_slice %arg7[%run_scoped3A_14, %dma_start3A_81, %dma_start3A_82] : memref<2x125x128xf32, #tpu.memory_space<vmem>> -> memref<1x125x128xf32, #tpu.memory_space<vmem>>
      %dma_start3A_84 = tpu.memref_squeeze %dma_start3A_83 : memref<1x125x128xf32, #tpu.memory_space<vmem>> -> memref<125x128xf32, #tpu.memory_space<vmem>>
      tpu.enqueue_dma source(%dma_start3A_84 : memref<125x128xf32, #tpu.memory_space<vmem>>) target(%dma_start3A_80 : memref<125x128xf32, #tpu.memory_space<vmem_shared>>) target_semaphore(%run_scoped3A_72 : memref<!tpu.dma_semaphore, #tpu.memory_space<semaphore_mem>>)
      %dma_wait3A = arith.constant 0 : i32
      %dma_wait3A_85 = arith.constant 0 : i32
      %dma_wait3A_86 = tpu.memref_slice %arg7[%run_scoped3A_14, %dma_wait3A, %dma_wait3A_85] : memref<2x125x128xf32, #tpu.memory_space<vmem>> -> memref<1x125x128xf32, #tpu.memory_space<vmem>>
      %dma_wait3A_87 = tpu.memref_squeeze %dma_wait3A_86 : memref<1x125x128xf32, #tpu.memory_space<vmem>> -> memref<125x128xf32, #tpu.memory_space<vmem>>
      %dma_wait3A_88 = arith.constant 0 : i32
      %dma_wait3A_89 = tpu.memref_slice %arg8[%add3A_13, %dma_wait3A_88] : memref<10000x128xf32, #tpu.memory_space<vmem_shared>> -> memref<125x128xf32, #tpu.memory_space<vmem_shared>>
      %dma_wait3A_90 = arith.constant 0 : i32
      %dma_wait3A_91 = tpu.memref_slice %arg8[%add3A_13, %dma_wait3A_90] : memref<10000x128xf32, #tpu.memory_space<vmem_shared>> -> memref<125x128xf32, #tpu.memory_space<vmem_shared>>
      %dma_wait3A_92 = arith.constant 0 : i32
      %dma_wait3A_93 = arith.constant 0 : i32
      %dma_wait3A_94 = tpu.memref_slice %arg7[%run_scoped3A_14, %dma_wait3A_92, %dma_wait3A_93] : memref<2x125x128xf32, #tpu.memory_space<vmem>> -> memref<1x125x128xf32, #tpu.memory_space<vmem>>
      %dma_wait3A_95 = tpu.memref_squeeze %dma_wait3A_94 : memref<1x125x128xf32, #tpu.memory_space<vmem>> -> memref<125x128xf32, #tpu.memory_space<vmem>>
      tpu.wait_dma2 semaphore(%run_scoped3A_72 : memref<!tpu.dma_semaphore, #tpu.memory_space<semaphore_mem>>) src(%dma_wait3A_95 : memref<125x128xf32, #tpu.memory_space<vmem>>) dst(%dma_wait3A_91 : memref<125x128xf32, #tpu.memory_space<vmem_shared>>)
      tpu.yield
    }) : () -> ()
    %mul3A_15 = arith.constant 625 : i32
    %mul3A_16 = arith.muli %arg1, %mul3A_15 : i32
    %add3A_17 = arith.constant 250 : i32
    %add3A_18 = arith.addi %mul3A_16, %add3A_17 : i32
    %run_scoped3A_19 = arith.constant 0 : i32
    "tpu.region"() ({
      %run_scoped3A_72 = tpu.sem_alloc : memref<!tpu.dma_semaphore, #tpu.memory_space<semaphore_mem>>
      %dma_start3A_73 = arith.constant 0 : i32
      %dma_start3A_74 = arith.constant 0 : i32
      %dma_start3A_75 = tpu.memref_slice %arg7[%run_scoped3A_19, %dma_start3A_73, %dma_start3A_74] : memref<2x125x128xf32, #tpu.memory_space<vmem>> -> memref<1x125x128xf32, #tpu.memory_space<vmem>>
      %dma_start3A_76 = tpu.memref_squeeze %dma_start3A_75 : memref<1x125x128xf32, #tpu.memory_space<vmem>> -> memref<125x128xf32, #tpu.memory_space<vmem>>
      %dma_start3A_77 = arith.constant 0 : i32
      %dma_start3A_78 = tpu.memref_slice %arg8[%add3A_18, %dma_start3A_77] : memref<10000x128xf32, #tpu.memory_space<vmem_shared>> -> memref<125x128xf32, #tpu.memory_space<vmem_shared>>
      %dma_start3A_79 = arith.constant 0 : i32
      %dma_start3A_80 = tpu.memref_slice %arg8[%add3A_18, %dma_start3A_79] : memref<10000x128xf32, #tpu.memory_space<vmem_shared>> -> memref<125x128xf32, #tpu.memory_space<vmem_shared>>
      %dma_start3A_81 = arith.constant 0 : i32
      %dma_start3A_82 = arith.constant 0 : i32
      %dma_start3A_83 = tpu.memref_slice %arg7[%run_scoped3A_19, %dma_start3A_81, %dma_start3A_82] : memref<2x125x128xf32, #tpu.memory_space<vmem>> -> memref<1x125x128xf32, #tpu.memory_space<vmem>>
      %dma_start3A_84 = tpu.memref_squeeze %dma_start3A_83 : memref<1x125x128xf32, #tpu.memory_space<vmem>> -> memref<125x128xf32, #tpu.memory_space<vmem>>
      tpu.enqueue_dma source(%dma_start3A_84 : memref<125x128xf32, #tpu.memory_space<vmem>>) target(%dma_start3A_80 : memref<125x128xf32, #tpu.memory_space<vmem_shared>>) target_semaphore(%run_scoped3A_72 : memref<!tpu.dma_semaphore, #tpu.memory_space<semaphore_mem>>)
      %dma_wait3A = arith.constant 0 : i32
      %dma_wait3A_85 = arith.constant 0 : i32
      %dma_wait3A_86 = tpu.memref_slice %arg7[%run_scoped3A_19, %dma_wait3A, %dma_wait3A_85] : memref<2x125x128xf32, #tpu.memory_space<vmem>> -> memref<1x125x128xf32, #tpu.memory_space<vmem>>
      %dma_wait3A_87 = tpu.memref_squeeze %dma_wait3A_86 : memref<1x125x128xf32, #tpu.memory_space<vmem>> -> memref<125x128xf32, #tpu.memory_space<vmem>>
      %dma_wait3A_88 = arith.constant 0 : i32
      %dma_wait3A_89 = tpu.memref_slice %arg8[%add3A_18, %dma_wait3A_88] : memref<10000x128xf32, #tpu.memory_space<vmem_shared>> -> memref<125x128xf32, #tpu.memory_space<vmem_shared>>
      %dma_wait3A_90 = arith.constant 0 : i32
      %dma_wait3A_91 = tpu.memref_slice %arg8[%add3A_18, %dma_wait3A_90] : memref<10000x128xf32, #tpu.memory_space<vmem_shared>> -> memref<125x128xf32, #tpu.memory_space<vmem_shared>>
      %dma_wait3A_92 = arith.constant 0 : i32
      %dma_wait3A_93 = arith.constant 0 : i32
      %dma_wait3A_94 = tpu.memref_slice %arg7[%run_scoped3A_19, %dma_wait3A_92, %dma_wait3A_93] : memref<2x125x128xf32, #tpu.memory_space<vmem>> -> memref<1x125x128xf32, #tpu.memory_space<vmem>>
      %dma_wait3A_95 = tpu.memref_squeeze %dma_wait3A_94 : memref<1x125x128xf32, #tpu.memory_space<vmem>> -> memref<125x128xf32, #tpu.memory_space<vmem>>
      tpu.wait_dma2 semaphore(%run_scoped3A_72 : memref<!tpu.dma_semaphore, #tpu.memory_space<semaphore_mem>>) src(%dma_wait3A_95 : memref<125x128xf32, #tpu.memory_space<vmem>>) dst(%dma_wait3A_91 : memref<125x128xf32, #tpu.memory_space<vmem_shared>>)
      tpu.yield
    }) : () -> ()
    %mul3A_20 = arith.constant 625 : i32
    %mul3A_21 = arith.muli %arg1, %mul3A_20 : i32
    %add3A_22 = arith.constant 375 : i32
    %add3A_23 = arith.addi %mul3A_21, %add3A_22 : i32
    %run_scoped3A_24 = arith.constant 0 : i32
    "tpu.region"() ({
      %run_scoped3A_72 = tpu.sem_alloc : memref<!tpu.dma_semaphore, #tpu.memory_space<semaphore_mem>>
      %dma_start3A_73 = arith.constant 0 : i32
      %dma_start3A_74 = arith.constant 0 : i32
      %dma_start3A_75 = tpu.memref_slice %arg7[%run_scoped3A_24, %dma_start3A_73, %dma_start3A_74] : memref<2x125x128xf32, #tpu.memory_space<vmem>> -> memref<1x125x128xf32, #tpu.memory_space<vmem>>
      %dma_start3A_76 = tpu.memref_squeeze %dma_start3A_75 : memref<1x125x128xf32, #tpu.memory_space<vmem>> -> memref<125x128xf32, #tpu.memory_space<vmem>>
      %dma_start3A_77 = arith.constant 0 : i32
      %dma_start3A_78 = tpu.memref_slice %arg8[%add3A_23, %dma_start3A_77] : memref<10000x128xf32, #tpu.memory_space<vmem_shared>> -> memref<125x128xf32, #tpu.memory_space<vmem_shared>>
      %dma_start3A_79 = arith.constant 0 : i32
      %dma_start3A_80 = tpu.memref_slice %arg8[%add3A_23, %dma_start3A_79] : memref<10000x128xf32, #tpu.memory_space<vmem_shared>> -> memref<125x128xf32, #tpu.memory_space<vmem_shared>>
      %dma_start3A_81 = arith.constant 0 : i32
      %dma_start3A_82 = arith.constant 0 : i32
      %dma_start3A_83 = tpu.memref_slice %arg7[%run_scoped3A_24, %dma_start3A_81, %dma_start3A_82] : memref<2x125x128xf32, #tpu.memory_space<vmem>> -> memref<1x125x128xf32, #tpu.memory_space<vmem>>
      %dma_start3A_84 = tpu.memref_squeeze %dma_start3A_83 : memref<1x125x128xf32, #tpu.memory_space<vmem>> -> memref<125x128xf32, #tpu.memory_space<vmem>>
      tpu.enqueue_dma source(%dma_start3A_84 : memref<125x128xf32, #tpu.memory_space<vmem>>) target(%dma_start3A_80 : memref<125x128xf32, #tpu.memory_space<vmem_shared>>) target_semaphore(%run_scoped3A_72 : memref<!tpu.dma_semaphore, #tpu.memory_space<semaphore_mem>>)
      %dma_wait3A = arith.constant 0 : i32
      %dma_wait3A_85 = arith.constant 0 : i32
      %dma_wait3A_86 = tpu.memref_slice %arg7[%run_scoped3A_24, %dma_wait3A, %dma_wait3A_85] : memref<2x125x128xf32, #tpu.memory_space<vmem>> -> memref<1x125x128xf32, #tpu.memory_space<vmem>>
      %dma_wait3A_87 = tpu.memref_squeeze %dma_wait3A_86 : memref<1x125x128xf32, #tpu.memory_space<vmem>> -> memref<125x128xf32, #tpu.memory_space<vmem>>
      %dma_wait3A_88 = arith.constant 0 : i32
      %dma_wait3A_89 = tpu.memref_slice %arg8[%add3A_23, %dma_wait3A_88] : memref<10000x128xf32, #tpu.memory_space<vmem_shared>> -> memref<125x128xf32, #tpu.memory_space<vmem_shared>>
      %dma_wait3A_90 = arith.constant 0 : i32
      %dma_wait3A_91 = tpu.memref_slice %arg8[%add3A_23, %dma_wait3A_90] : memref<10000x128xf32, #tpu.memory_space<vmem_shared>> -> memref<125x128xf32, #tpu.memory_space<vmem_shared>>
      %dma_wait3A_92 = arith.constant 0 : i32
      %dma_wait3A_93 = arith.constant 0 : i32
      %dma_wait3A_94 = tpu.memref_slice %arg7[%run_scoped3A_24, %dma_wait3A_92, %dma_wait3A_93] : memref<2x125x128xf32, #tpu.memory_space<vmem>> -> memref<1x125x128xf32, #tpu.memory_space<vmem>>
      %dma_wait3A_95 = tpu.memref_squeeze %dma_wait3A_94 : memref<1x125x128xf32, #tpu.memory_space<vmem>> -> memref<125x128xf32, #tpu.memory_space<vmem>>
      tpu.wait_dma2 semaphore(%run_scoped3A_72 : memref<!tpu.dma_semaphore, #tpu.memory_space<semaphore_mem>>) src(%dma_wait3A_95 : memref<125x128xf32, #tpu.memory_space<vmem>>) dst(%dma_wait3A_91 : memref<125x128xf32, #tpu.memory_space<vmem_shared>>)
      tpu.yield
    }) : () -> ()
    %mul3A_25 = arith.constant 625 : i32
    %mul3A_26 = arith.muli %arg1, %mul3A_25 : i32
    %add3A_27 = arith.constant 500 : i32
    %add3A_28 = arith.addi %mul3A_26, %add3A_27 : i32
    %run_scoped3A_29 = arith.constant 0 : i32
    "tpu.region"() ({
      %run_scoped3A_72 = tpu.sem_alloc : memref<!tpu.dma_semaphore, #tpu.memory_space<semaphore_mem>>
      %dma_start3A_73 = arith.constant 0 : i32
      %dma_start3A_74 = arith.constant 0 : i32
      %dma_start3A_75 = tpu.memref_slice %arg7[%run_scoped3A_29, %dma_start3A_73, %dma_start3A_74] : memref<2x125x128xf32, #tpu.memory_space<vmem>> -> memref<1x125x128xf32, #tpu.memory_space<vmem>>
      %dma_start3A_76 = tpu.memref_squeeze %dma_start3A_75 : memref<1x125x128xf32, #tpu.memory_space<vmem>> -> memref<125x128xf32, #tpu.memory_space<vmem>>
      %dma_start3A_77 = arith.constant 0 : i32
      %dma_start3A_78 = tpu.memref_slice %arg8[%add3A_28, %dma_start3A_77] : memref<10000x128xf32, #tpu.memory_space<vmem_shared>> -> memref<125x128xf32, #tpu.memory_space<vmem_shared>>
      %dma_start3A_79 = arith.constant 0 : i32
      %dma_start3A_80 = tpu.memref_slice %arg8[%add3A_28, %dma_start3A_79] : memref<10000x128xf32, #tpu.memory_space<vmem_shared>> -> memref<125x128xf32, #tpu.memory_space<vmem_shared>>
      %dma_start3A_81 = arith.constant 0 : i32
      %dma_start3A_82 = arith.constant 0 : i32
      %dma_start3A_83 = tpu.memref_slice %arg7[%run_scoped3A_29, %dma_start3A_81, %dma_start3A_82] : memref<2x125x128xf32, #tpu.memory_space<vmem>> -> memref<1x125x128xf32, #tpu.memory_space<vmem>>
      %dma_start3A_84 = tpu.memref_squeeze %dma_start3A_83 : memref<1x125x128xf32, #tpu.memory_space<vmem>> -> memref<125x128xf32, #tpu.memory_space<vmem>>
      tpu.enqueue_dma source(%dma_start3A_84 : memref<125x128xf32, #tpu.memory_space<vmem>>) target(%dma_start3A_80 : memref<125x128xf32, #tpu.memory_space<vmem_shared>>) target_semaphore(%run_scoped3A_72 : memref<!tpu.dma_semaphore, #tpu.memory_space<semaphore_mem>>)
      %dma_wait3A = arith.constant 0 : i32
      %dma_wait3A_85 = arith.constant 0 : i32
      %dma_wait3A_86 = tpu.memref_slice %arg7[%run_scoped3A_29, %dma_wait3A, %dma_wait3A_85] : memref<2x125x128xf32, #tpu.memory_space<vmem>> -> memref<1x125x128xf32, #tpu.memory_space<vmem>>
      %dma_wait3A_87 = tpu.memref_squeeze %dma_wait3A_86 : memref<1x125x128xf32, #tpu.memory_space<vmem>> -> memref<125x128xf32, #tpu.memory_space<vmem>>
      %dma_wait3A_88 = arith.constant 0 : i32
      %dma_wait3A_89 = tpu.memref_slice %arg8[%add3A_28, %dma_wait3A_88] : memref<10000x128xf32, #tpu.memory_space<vmem_shared>> -> memref<125x128xf32, #tpu.memory_space<vmem_shared>>
      %dma_wait3A_90 = arith.constant 0 : i32
      %dma_wait3A_91 = tpu.memref_slice %arg8[%add3A_28, %dma_wait3A_90] : memref<10000x128xf32, #tpu.memory_space<vmem_shared>> -> memref<125x128xf32, #tpu.memory_space<vmem_shared>>
      %dma_wait3A_92 = arith.constant 0 : i32
      %dma_wait3A_93 = arith.constant 0 : i32
      %dma_wait3A_94 = tpu.memref_slice %arg7[%run_scoped3A_29, %dma_wait3A_92, %dma_wait3A_93] : memref<2x125x128xf32, #tpu.memory_space<vmem>> -> memref<1x125x128xf32, #tpu.memory_space<vmem>>
      %dma_wait3A_95 = tpu.memref_squeeze %dma_wait3A_94 : memref<1x125x128xf32, #tpu.memory_space<vmem>> -> memref<125x128xf32, #tpu.memory_space<vmem>>
      tpu.wait_dma2 semaphore(%run_scoped3A_72 : memref<!tpu.dma_semaphore, #tpu.memory_space<semaphore_mem>>) src(%dma_wait3A_95 : memref<125x128xf32, #tpu.memory_space<vmem>>) dst(%dma_wait3A_91 : memref<125x128xf32, #tpu.memory_space<vmem_shared>>)
      tpu.yield
    }) : () -> ()
    %barrier3A = arith.constant 0 : index
    tpu.barrier barrier_id(%barrier3A)
    %mul3A_30 = arith.constant 80 : i32
    %mul3A_31 = arith.muli %add3A, %mul3A_30 : i32
    %run_scoped3A_32 = arith.constant 0 : i32
    "tpu.region"() ({
      %run_scoped3A_72 = tpu.sem_alloc : memref<!tpu.dma_semaphore, #tpu.memory_space<semaphore_mem>>
      %dma_start3A_73 = arith.constant 0 : i32
      %dma_start3A_74 = arith.constant 0 : i32
      %dma_start3A_75 = tpu.memref_slice %arg5[%dma_start3A_73, %dma_start3A_74] : memref<16x125xi32, #tpu.memory_space<vmem>> -> memref<8x125xi32, #tpu.memory_space<vmem>>
      %dma_start3A_76 = arith.constant 0 : i32
      %dma_start3A_77 = tpu.memref_slice %arg3[%run_scoped3A_32, %mul3A_31, %dma_start3A_76] : memref<2x2560x125xi32, #tpu.memory_space<hbm>> -> memref<1x8x125xi32, #tpu.memory_space<hbm>>
      %dma_start3A_78 = tpu.memref_squeeze %dma_start3A_77 : memref<1x8x125xi32, #tpu.memory_space<hbm>> -> memref<8x125xi32, #tpu.memory_space<hbm>>
      %dma_start3A_79 = arith.constant 0 : i32
      %dma_start3A_80 = arith.constant 0 : i32
      %dma_start3A_81 = tpu.memref_slice %arg5[%dma_start3A_79, %dma_start3A_80] : memref<16x125xi32, #tpu.memory_space<vmem>> -> memref<8x125xi32, #tpu.memory_space<vmem>>
      %dma_start3A_82 = arith.constant 0 : i32
      %dma_start3A_83 = tpu.memref_slice %arg3[%run_scoped3A_32, %mul3A_31, %dma_start3A_82] : memref<2x2560x125xi32, #tpu.memory_space<hbm>> -> memref<1x8x125xi32, #tpu.memory_space<hbm>>
      %dma_start3A_84 = tpu.memref_squeeze %dma_start3A_83 : memref<1x8x125xi32, #tpu.memory_space<hbm>> -> memref<8x125xi32, #tpu.memory_space<hbm>>
      tpu.enqueue_dma source(%dma_start3A_84 : memref<8x125xi32, #tpu.memory_space<hbm>>) target(%dma_start3A_81 : memref<8x125xi32, #tpu.memory_space<vmem>>) target_semaphore(%run_scoped3A_72 : memref<!tpu.dma_semaphore, #tpu.memory_space<semaphore_mem>>)
      %dma_wait3A = arith.constant 0 : i32
      %dma_wait3A_85 = arith.constant 0 : i32
      %dma_wait3A_86 = tpu.memref_slice %arg5[%dma_wait3A, %dma_wait3A_85] : memref<16x125xi32, #tpu.memory_space<vmem>> -> memref<8x125xi32, #tpu.memory_space<vmem>>
      %dma_wait3A_87 = arith.constant 0 : i32
      %dma_wait3A_88 = tpu.memref_slice %arg3[%run_scoped3A_32, %mul3A_31, %dma_wait3A_87] : memref<2x2560x125xi32, #tpu.memory_space<hbm>> -> memref<1x8x125xi32, #tpu.memory_space<hbm>>
      %dma_wait3A_89 = tpu.memref_squeeze %dma_wait3A_88 : memref<1x8x125xi32, #tpu.memory_space<hbm>> -> memref<8x125xi32, #tpu.memory_space<hbm>>
      %dma_wait3A_90 = arith.constant 0 : i32
      %dma_wait3A_91 = arith.constant 0 : i32
      %dma_wait3A_92 = tpu.memref_slice %arg5[%dma_wait3A_90, %dma_wait3A_91] : memref<16x125xi32, #tpu.memory_space<vmem>> -> memref<8x125xi32, #tpu.memory_space<vmem>>
      %dma_wait3A_93 = arith.constant 0 : i32
      %dma_wait3A_94 = tpu.memref_slice %arg3[%run_scoped3A_32, %mul3A_31, %dma_wait3A_93] : memref<2x2560x125xi32, #tpu.memory_space<hbm>> -> memref<1x8x125xi32, #tpu.memory_space<hbm>>
      %dma_wait3A_95 = tpu.memref_squeeze %dma_wait3A_94 : memref<1x8x125xi32, #tpu.memory_space<hbm>> -> memref<8x125xi32, #tpu.memory_space<hbm>>
      tpu.wait_dma2 semaphore(%run_scoped3A_72 : memref<!tpu.dma_semaphore, #tpu.memory_space<semaphore_mem>>) src(%dma_wait3A_95 : memref<8x125xi32, #tpu.memory_space<hbm>>) dst(%dma_wait3A_92 : memref<8x125xi32, #tpu.memory_space<vmem>>)
      tpu.yield
    }) : () -> ()
    %mul3A_33 = arith.constant 80 : i32
    %mul3A_34 = arith.muli %add3A, %mul3A_33 : i32
    %run_scoped3A_35 = arith.constant 1 : i32
    "tpu.region"() ({
      %run_scoped3A_72 = tpu.sem_alloc : memref<!tpu.dma_semaphore, #tpu.memory_space<semaphore_mem>>
      %dma_start3A_73 = arith.constant 0 : i32
      %dma_start3A_74 = arith.constant 0 : i32
      %dma_start3A_75 = tpu.memref_slice %arg6[%dma_start3A_73, %dma_start3A_74] : memref<16x125xi32, #tpu.memory_space<vmem>> -> memref<8x125xi32, #tpu.memory_space<vmem>>
      %dma_start3A_76 = arith.constant 0 : i32
      %dma_start3A_77 = tpu.memref_slice %arg3[%run_scoped3A_35, %mul3A_34, %dma_start3A_76] : memref<2x2560x125xi32, #tpu.memory_space<hbm>> -> memref<1x8x125xi32, #tpu.memory_space<hbm>>
      %dma_start3A_78 = tpu.memref_squeeze %dma_start3A_77 : memref<1x8x125xi32, #tpu.memory_space<hbm>> -> memref<8x125xi32, #tpu.memory_space<hbm>>
      %dma_start3A_79 = arith.constant 0 : i32
      %dma_start3A_80 = arith.constant 0 : i32
      %dma_start3A_81 = tpu.memref_slice %arg6[%dma_start3A_79, %dma_start3A_80] : memref<16x125xi32, #tpu.memory_space<vmem>> -> memref<8x125xi32, #tpu.memory_space<vmem>>
      %dma_start3A_82 = arith.constant 0 : i32
      %dma_start3A_83 = tpu.memref_slice %arg3[%run_scoped3A_35, %mul3A_34, %dma_start3A_82] : memref<2x2560x125xi32, #tpu.memory_space<hbm>> -> memref<1x8x125xi32, #tpu.memory_space<hbm>>
      %dma_start3A_84 = tpu.memref_squeeze %dma_start3A_83 : memref<1x8x125xi32, #tpu.memory_space<hbm>> -> memref<8x125xi32, #tpu.memory_space<hbm>>
      tpu.enqueue_dma source(%dma_start3A_84 : memref<8x125xi32, #tpu.memory_space<hbm>>) target(%dma_start3A_81 : memref<8x125xi32, #tpu.memory_space<vmem>>) target_semaphore(%run_scoped3A_72 : memref<!tpu.dma_semaphore, #tpu.memory_space<semaphore_mem>>)
      %dma_wait3A = arith.constant 0 : i32
      %dma_wait3A_85 = arith.constant 0 : i32
      %dma_wait3A_86 = tpu.memref_slice %arg6[%dma_wait3A, %dma_wait3A_85] : memref<16x125xi32, #tpu.memory_space<vmem>> -> memref<8x125xi32, #tpu.memory_space<vmem>>
      %dma_wait3A_87 = arith.constant 0 : i32
      %dma_wait3A_88 = tpu.memref_slice %arg3[%run_scoped3A_35, %mul3A_34, %dma_wait3A_87] : memref<2x2560x125xi32, #tpu.memory_space<hbm>> -> memref<1x8x125xi32, #tpu.memory_space<hbm>>
      %dma_wait3A_89 = tpu.memref_squeeze %dma_wait3A_88 : memref<1x8x125xi32, #tpu.memory_space<hbm>> -> memref<8x125xi32, #tpu.memory_space<hbm>>
      %dma_wait3A_90 = arith.constant 0 : i32
      %dma_wait3A_91 = arith.constant 0 : i32
      %dma_wait3A_92 = tpu.memref_slice %arg6[%dma_wait3A_90, %dma_wait3A_91] : memref<16x125xi32, #tpu.memory_space<vmem>> -> memref<8x125xi32, #tpu.memory_space<vmem>>
      %dma_wait3A_93 = arith.constant 0 : i32
      %dma_wait3A_94 = tpu.memref_slice %arg3[%run_scoped3A_35, %mul3A_34, %dma_wait3A_93] : memref<2x2560x125xi32, #tpu.memory_space<hbm>> -> memref<1x8x125xi32, #tpu.memory_space<hbm>>
      %dma_wait3A_95 = tpu.memref_squeeze %dma_wait3A_94 : memref<1x8x125xi32, #tpu.memory_space<hbm>> -> memref<8x125xi32, #tpu.memory_space<hbm>>
      tpu.wait_dma2 semaphore(%run_scoped3A_72 : memref<!tpu.dma_semaphore, #tpu.memory_space<semaphore_mem>>) src(%dma_wait3A_95 : memref<8x125xi32, #tpu.memory_space<hbm>>) dst(%dma_wait3A_92 : memref<8x125xi32, #tpu.memory_space<vmem>>)
      tpu.yield
    }) : () -> ()
    %dma_start3A = arith.constant 0 : i32
    %dma_start3A_36 = arith.constant 0 : i32
    %dma_start3A_37 = arith.constant 0 : i32
    %dma_start3A_38 = arith.constant 0 : i32
    %dma_start3A_39 = tpu.memref_slice %arg7[%dma_start3A_36, %dma_start3A_37, %dma_start3A_38] : memref<2x125x128xf32, #tpu.memory_space<vmem>> -> memref<1x125x128xf32, #tpu.memory_space<vmem>>
    %dma_start3A_40 = tpu.memref_squeeze %dma_start3A_39 : memref<1x125x128xf32, #tpu.memory_space<vmem>> -> memref<125x128xf32, #tpu.memory_space<vmem>>
    %dma_start3A_41 = arith.constant 0 : i32
    %dma_start3A_42 = tpu.memref_slice %arg5[%dma_start3A, %dma_start3A_41] : memref<16x125xi32, #tpu.memory_space<vmem>> -> memref<1x125xi32, #tpu.memory_space<vmem>>
    %dma_start3A_43 = tpu.memref_squeeze %dma_start3A_42 : memref<1x125xi32, #tpu.memory_space<vmem>> -> memref<125xi32, #tpu.memory_space<vmem>>
    %dma_start3A_44 = arith.constant 0 : i32
    %dma_start3A_45 = arith.constant 0 : i32
    %dma_start3A_46 = tpu.memref_slice %arg2[%dma_start3A_44, %dma_start3A_45] : memref<10000x128xf32, #tpu.memory_space<hbm>> -> memref<10000x128xf32, #tpu.memory_space<hbm>>
    tpu.enqueue_indirect_dma source(%dma_start3A_46 : memref<10000x128xf32, #tpu.memory_space<hbm>>) target(%dma_start3A_40 : memref<125x128xf32, #tpu.memory_space<vmem>>) offsets(%dma_start3A_43 : memref<125xi32, #tpu.memory_space<vmem>>) semaphore(%arg9 : memref<!tpu.dma_semaphore, #tpu.memory_space<semaphore_mem>>)
    %dma_start3A_47 = arith.constant 1 : i32
    %dma_start3A_48 = arith.constant 1 : i32
    %dma_start3A_49 = arith.constant 0 : i32
    %dma_start3A_50 = arith.constant 0 : i32
    %dma_start3A_51 = tpu.memref_slice %arg7[%dma_start3A_48, %dma_start3A_49, %dma_start3A_50] : memref<2x125x128xf32, #tpu.memory_space<vmem>> -> memref<1x125x128xf32, #tpu.memory_space<vmem>>
    %dma_start3A_52 = tpu.memref_squeeze %dma_start3A_51 : memref<1x125x128xf32, #tpu.memory_space<vmem>> -> memref<125x128xf32, #tpu.memory_space<vmem>>
    %dma_start3A_53 = arith.constant 0 : i32
    %dma_start3A_54 = tpu.memref_slice %arg5[%dma_start3A_47, %dma_start3A_53] : memref<16x125xi32, #tpu.memory_space<vmem>> -> memref<1x125xi32, #tpu.memory_space<vmem>>
    %dma_start3A_55 = tpu.memref_squeeze %dma_start3A_54 : memref<1x125xi32, #tpu.memory_space<vmem>> -> memref<125xi32, #tpu.memory_space<vmem>>
    %dma_start3A_56 = arith.constant 0 : i32
    %dma_start3A_57 = arith.constant 0 : i32
    %dma_start3A_58 = tpu.memref_slice %arg2[%dma_start3A_56, %dma_start3A_57] : memref<10000x128xf32, #tpu.memory_space<hbm>> -> memref<10000x128xf32, #tpu.memory_space<hbm>>
    tpu.enqueue_indirect_dma source(%dma_start3A_58 : memref<10000x128xf32, #tpu.memory_space<hbm>>) target(%dma_start3A_52 : memref<125x128xf32, #tpu.memory_space<vmem>>) offsets(%dma_start3A_55 : memref<125xi32, #tpu.memory_space<vmem>>) semaphore(%arg10 : memref<!tpu.dma_semaphore, #tpu.memory_space<semaphore_mem>>)
    %scan3A_59 = arith.constant 0 : i32
    %scan3A_60 = arith.constant 0 : i32
    %scan3A_61 = arith.constant 5 : i32
    %scan3A_62 = arith.addi %scan3A_60, %scan3A_61 : i32
    %scan3A_63 = arith.constant 1 : i32
    scf.for %scan3A_72 = %scan3A_60 to %scan3A_62 step %scan3A_63  : i32 {
      %mul3A_73 = arith.constant 2 : i32
      %mul3A_74 = arith.muli %mul3A_73, %scan3A_72 : i32
      %add3A_75 = arith.constant 0 : i32
      %add3A_76 = arith.addi %mul3A_74, %add3A_75 : i32
      %add3A_77 = arith.constant 1 : i32
      %add3A_78 = arith.addi %add3A_76, %add3A_77 : i32
      %lt3A = arith.constant 10 : i32
      %lt3A_79 = arith.cmpi slt, %add3A_78, %lt3A : i32
      %convert_element_type3A_80 = arith.extui %lt3A_79 : i1 to i32
      %cond3A_81 = arith.constant 0 : i32
      %cond3A_82 = arith.cmpi ne, %convert_element_type3A_80, %cond3A_81 : i32
      scf.if %cond3A_82 {
        %add3A_203 = arith.constant 1 : i32
        %add3A_204 = arith.addi %add3A_76, %add3A_203 : i32
        %mul3A_205 = arith.constant 80 : i32
        %mul3A_206 = arith.muli %add3A, %mul3A_205 : i32
        %mul3A_207 = arith.constant 8 : i32
        %mul3A_208 = arith.muli %add3A_204, %mul3A_207 : i32
        %add3A_209 = arith.addi %mul3A_206, %mul3A_208 : i32
        %dma_start3A_210 = arith.constant 0 : i32
        %dma_start3A_211 = arith.constant 8 : i32
        %dma_start3A_212 = arith.constant 0 : i32
        %dma_start3A_213 = tpu.memref_slice %arg5[%dma_start3A_211, %dma_start3A_212] : memref<16x125xi32, #tpu.memory_space<vmem>> -> memref<8x125xi32, #tpu.memory_space<vmem>>
        %dma_start3A_214 = arith.constant 0 : i32
        %dma_start3A_215 = tpu.memref_slice %arg3[%dma_start3A_210, %add3A_209, %dma_start3A_214] : memref<2x2560x125xi32, #tpu.memory_space<hbm>> -> memref<1x8x125xi32, #tpu.memory_space<hbm>>
        %dma_start3A_216 = tpu.memref_squeeze %dma_start3A_215 : memref<1x8x125xi32, #tpu.memory_space<hbm>> -> memref<8x125xi32, #tpu.memory_space<hbm>>
        %dma_start3A_217 = arith.constant 8 : i32
        %dma_start3A_218 = arith.constant 0 : i32
        %dma_start3A_219 = tpu.memref_slice %arg5[%dma_start3A_217, %dma_start3A_218] : memref<16x125xi32, #tpu.memory_space<vmem>> -> memref<8x125xi32, #tpu.memory_space<vmem>>
        %dma_start3A_220 = arith.constant 0 : i32
        %dma_start3A_221 = tpu.memref_slice %arg3[%dma_start3A_210, %add3A_209, %dma_start3A_220] : memref<2x2560x125xi32, #tpu.memory_space<hbm>> -> memref<1x8x125xi32, #tpu.memory_space<hbm>>
        %dma_start3A_222 = tpu.memref_squeeze %dma_start3A_221 : memref<1x8x125xi32, #tpu.memory_space<hbm>> -> memref<8x125xi32, #tpu.memory_space<hbm>>
        tpu.enqueue_dma source(%dma_start3A_222 : memref<8x125xi32, #tpu.memory_space<hbm>>) target(%dma_start3A_219 : memref<8x125xi32, #tpu.memory_space<vmem>>) target_semaphore(%arg11 : memref<!tpu.dma_semaphore, #tpu.memory_space<semaphore_mem>>)
        %dma_start3A_223 = arith.constant 1 : i32
        %dma_start3A_224 = arith.constant 8 : i32
        %dma_start3A_225 = arith.constant 0 : i32
        %dma_start3A_226 = tpu.memref_slice %arg6[%dma_start3A_224, %dma_start3A_225] : memref<16x125xi32, #tpu.memory_space<vmem>> -> memref<8x125xi32, #tpu.memory_space<vmem>>
        %dma_start3A_227 = arith.constant 0 : i32
        %dma_start3A_228 = tpu.memref_slice %arg3[%dma_start3A_223, %add3A_209, %dma_start3A_227] : memref<2x2560x125xi32, #tpu.memory_space<hbm>> -> memref<1x8x125xi32, #tpu.memory_space<hbm>>
        %dma_start3A_229 = tpu.memref_squeeze %dma_start3A_228 : memref<1x8x125xi32, #tpu.memory_space<hbm>> -> memref<8x125xi32, #tpu.memory_space<hbm>>
        %dma_start3A_230 = arith.constant 8 : i32
        %dma_start3A_231 = arith.constant 0 : i32
        %dma_start3A_232 = tpu.memref_slice %arg6[%dma_start3A_230, %dma_start3A_231] : memref<16x125xi32, #tpu.memory_space<vmem>> -> memref<8x125xi32, #tpu.memory_space<vmem>>
        %dma_start3A_233 = arith.constant 0 : i32
        %dma_start3A_234 = tpu.memref_slice %arg3[%dma_start3A_223, %add3A_209, %dma_start3A_233] : memref<2x2560x125xi32, #tpu.memory_space<hbm>> -> memref<1x8x125xi32, #tpu.memory_space<hbm>>
        %dma_start3A_235 = tpu.memref_squeeze %dma_start3A_234 : memref<1x8x125xi32, #tpu.memory_space<hbm>> -> memref<8x125xi32, #tpu.memory_space<hbm>>
        tpu.enqueue_dma source(%dma_start3A_235 : memref<8x125xi32, #tpu.memory_space<hbm>>) target(%dma_start3A_232 : memref<8x125xi32, #tpu.memory_space<vmem>>) target_semaphore(%arg12 : memref<!tpu.dma_semaphore, #tpu.memory_space<semaphore_mem>>)
      } else {
      }
      %scan3A_83 = arith.constant 0 : i32
      %scan3A_84 = arith.constant 0 : i32
      %scan3A_85 = arith.constant 3 : i32
      %scan3A_86 = arith.addi %scan3A_84, %scan3A_85 : i32
      %scan3A_87 = arith.constant 1 : i32
      scf.for %scan3A_203 = %scan3A_84 to %scan3A_86 step %scan3A_87  : i32 {
        %mul3A_204 = arith.constant 2 : i32
        %mul3A_205 = arith.muli %mul3A_204, %scan3A_203 : i32
        %add3A_206 = arith.constant 0 : i32
        %add3A_207 = arith.addi %add3A_206, %mul3A_205 : i32
        %dma_wait3A_208 = arith.constant 0 : i32
        %dma_wait3A_209 = arith.constant 0 : i32
        %dma_wait3A_210 = arith.constant 0 : i32
        %dma_wait3A_211 = tpu.memref_slice %arg7[%dma_wait3A_208, %dma_wait3A_209, %dma_wait3A_210] : memref<2x125x128xf32, #tpu.memory_space<vmem>> -> memref<1x125x128xf32, #tpu.memory_space<vmem>>
        %dma_wait3A_212 = tpu.memref_squeeze %dma_wait3A_211 : memref<1x125x128xf32, #tpu.memory_space<vmem>> -> memref<125x128xf32, #tpu.memory_space<vmem>>
        %dma_wait3A_213 = arith.constant 0 : i32
        %dma_wait3A_214 = tpu.memref_slice %arg5[%add3A_207, %dma_wait3A_213] : memref<16x125xi32, #tpu.memory_space<vmem>> -> memref<1x125xi32, #tpu.memory_space<vmem>>
        %dma_wait3A_215 = tpu.memref_squeeze %dma_wait3A_214 : memref<1x125xi32, #tpu.memory_space<vmem>> -> memref<125xi32, #tpu.memory_space<vmem>>
        %dma_wait3A_216 = arith.constant 0 : i32
        %dma_wait3A_217 = arith.constant 0 : i32
        %dma_wait3A_218 = tpu.memref_slice %arg2[%dma_wait3A_216, %dma_wait3A_217] : memref<10000x128xf32, #tpu.memory_space<hbm>> -> memref<10000x128xf32, #tpu.memory_space<hbm>>
        tpu.wait_indirect_dma semaphore(%arg9 : memref<!tpu.dma_semaphore, #tpu.memory_space<semaphore_mem>>) src(%dma_wait3A_218 : memref<10000x128xf32, #tpu.memory_space<hbm>>) dst(%dma_wait3A_212 : memref<125x128xf32, #tpu.memory_space<vmem>>)
        %run_scoped3A_219 = arith.constant 0 : i32
        "tpu.region"() ({
          %run_scoped3A_262 = tpu.sem_alloc : memref<!tpu.dma_semaphore, #tpu.memory_space<semaphore_mem>>
          %dma_start3A_263 = arith.constant 0 : i32
          %dma_start3A_264 = arith.constant 0 : i32
          %dma_start3A_265 = tpu.memref_slice %arg7[%run_scoped3A_219, %dma_start3A_263, %dma_start3A_264] : memref<2x125x128xf32, #tpu.memory_space<vmem>> -> memref<1x125x128xf32, #tpu.memory_space<vmem>>
          %dma_start3A_266 = tpu.memref_squeeze %dma_start3A_265 : memref<1x125x128xf32, #tpu.memory_space<vmem>> -> memref<125x128xf32, #tpu.memory_space<vmem>>
          %dma_start3A_267 = arith.constant 0 : i32
          %dma_start3A_268 = tpu.memref_slice %arg6[%add3A_207, %dma_start3A_267] : memref<16x125xi32, #tpu.memory_space<vmem>> -> memref<1x125xi32, #tpu.memory_space<vmem>>
          %dma_start3A_269 = tpu.memref_squeeze %dma_start3A_268 : memref<1x125xi32, #tpu.memory_space<vmem>> -> memref<125xi32, #tpu.memory_space<vmem>>
          %dma_start3A_270 = arith.constant 0 : i32
          %dma_start3A_271 = arith.constant 0 : i32
          %dma_start3A_272 = tpu.memref_slice %arg8[%dma_start3A_270, %dma_start3A_271] : memref<10000x128xf32, #tpu.memory_space<vmem_shared>> -> memref<10000x128xf32, #tpu.memory_space<vmem_shared>>
          tpu.enqueue_indirect_dma source(%dma_start3A_266 : memref<125x128xf32, #tpu.memory_space<vmem>>) target(%dma_start3A_272 : memref<10000x128xf32, #tpu.memory_space<vmem_shared>>) offsets(%dma_start3A_269 : memref<125xi32, #tpu.memory_space<vmem>>) semaphore(%run_scoped3A_262 : memref<!tpu.dma_semaphore, #tpu.memory_space<semaphore_mem>>) {add = true}
          %dma_wait3A_273 = arith.constant 0 : i32
          %dma_wait3A_274 = arith.constant 0 : i32
          %dma_wait3A_275 = tpu.memref_slice %arg7[%run_scoped3A_219, %dma_wait3A_273, %dma_wait3A_274] : memref<2x125x128xf32, #tpu.memory_space<vmem>> -> memref<1x125x128xf32, #tpu.memory_space<vmem>>
          %dma_wait3A_276 = tpu.memref_squeeze %dma_wait3A_275 : memref<1x125x128xf32, #tpu.memory_space<vmem>> -> memref<125x128xf32, #tpu.memory_space<vmem>>
          %dma_wait3A_277 = arith.constant 0 : i32
          %dma_wait3A_278 = tpu.memref_slice %arg6[%add3A_207, %dma_wait3A_277] : memref<16x125xi32, #tpu.memory_space<vmem>> -> memref<1x125xi32, #tpu.memory_space<vmem>>
          %dma_wait3A_279 = tpu.memref_squeeze %dma_wait3A_278 : memref<1x125xi32, #tpu.memory_space<vmem>> -> memref<125xi32, #tpu.memory_space<vmem>>
          %dma_wait3A_280 = arith.constant 0 : i32
          %dma_wait3A_281 = arith.constant 0 : i32
          %dma_wait3A_282 = tpu.memref_slice %arg8[%dma_wait3A_280, %dma_wait3A_281] : memref<10000x128xf32, #tpu.memory_space<vmem_shared>> -> memref<10000x128xf32, #tpu.memory_space<vmem_shared>>
          tpu.wait_indirect_dma semaphore(%run_scoped3A_262 : memref<!tpu.dma_semaphore, #tpu.memory_space<semaphore_mem>>) src(%dma_wait3A_276 : memref<125x128xf32, #tpu.memory_space<vmem>>) dst(%dma_wait3A_282 : memref<10000x128xf32, #tpu.memory_space<vmem_shared>>)
          tpu.yield
        }) : () -> ()
        %add3A_220 = arith.constant 2 : i32
        %add3A_221 = arith.addi %add3A_207, %add3A_220 : i32
        %dma_start3A_222 = arith.constant 0 : i32
        %dma_start3A_223 = arith.constant 0 : i32
        %dma_start3A_224 = arith.constant 0 : i32
        %dma_start3A_225 = tpu.memref_slice %arg7[%dma_start3A_222, %dma_start3A_223, %dma_start3A_224] : memref<2x125x128xf32, #tpu.memory_space<vmem>> -> memref<1x125x128xf32, #tpu.memory_space<vmem>>
        %dma_start3A_226 = tpu.memref_squeeze %dma_start3A_225 : memref<1x125x128xf32, #tpu.memory_space<vmem>> -> memref<125x128xf32, #tpu.memory_space<vmem>>
        %dma_start3A_227 = arith.constant 0 : i32
        %dma_start3A_228 = tpu.memref_slice %arg5[%add3A_221, %dma_start3A_227] : memref<16x125xi32, #tpu.memory_space<vmem>> -> memref<1x125xi32, #tpu.memory_space<vmem>>
        %dma_start3A_229 = tpu.memref_squeeze %dma_start3A_228 : memref<1x125xi32, #tpu.memory_space<vmem>> -> memref<125xi32, #tpu.memory_space<vmem>>
        %dma_start3A_230 = arith.constant 0 : i32
        %dma_start3A_231 = arith.constant 0 : i32
        %dma_start3A_232 = tpu.memref_slice %arg2[%dma_start3A_230, %dma_start3A_231] : memref<10000x128xf32, #tpu.memory_space<hbm>> -> memref<10000x128xf32, #tpu.memory_space<hbm>>
        tpu.enqueue_indirect_dma source(%dma_start3A_232 : memref<10000x128xf32, #tpu.memory_space<hbm>>) target(%dma_start3A_226 : memref<125x128xf32, #tpu.memory_space<vmem>>) offsets(%dma_start3A_229 : memref<125xi32, #tpu.memory_space<vmem>>) semaphore(%arg9 : memref<!tpu.dma_semaphore, #tpu.memory_space<semaphore_mem>>)
        %add3A_233 = arith.constant 1 : i32
        %add3A_234 = arith.addi %add3A_207, %add3A_233 : i32
        %dma_wait3A_235 = arith.constant 1 : i32
        %dma_wait3A_236 = arith.constant 0 : i32
        %dma_wait3A_237 = arith.constant 0 : i32
        %dma_wait3A_238 = tpu.memref_slice %arg7[%dma_wait3A_235, %dma_wait3A_236, %dma_wait3A_237] : memref<2x125x128xf32, #tpu.memory_space<vmem>> -> memref<1x125x128xf32, #tpu.memory_space<vmem>>
        %dma_wait3A_239 = tpu.memref_squeeze %dma_wait3A_238 : memref<1x125x128xf32, #tpu.memory_space<vmem>> -> memref<125x128xf32, #tpu.memory_space<vmem>>
        %dma_wait3A_240 = arith.constant 0 : i32
        %dma_wait3A_241 = tpu.memref_slice %arg5[%add3A_234, %dma_wait3A_240] : memref<16x125xi32, #tpu.memory_space<vmem>> -> memref<1x125xi32, #tpu.memory_space<vmem>>
        %dma_wait3A_242 = tpu.memref_squeeze %dma_wait3A_241 : memref<1x125xi32, #tpu.memory_space<vmem>> -> memref<125xi32, #tpu.memory_space<vmem>>
        %dma_wait3A_243 = arith.constant 0 : i32
        %dma_wait3A_244 = arith.constant 0 : i32
        %dma_wait3A_245 = tpu.memref_slice %arg2[%dma_wait3A_243, %dma_wait3A_244] : memref<10000x128xf32, #tpu.memory_space<hbm>> -> memref<10000x128xf32, #tpu.memory_space<hbm>>
        tpu.wait_indirect_dma semaphore(%arg10 : memref<!tpu.dma_semaphore, #tpu.memory_space<semaphore_mem>>) src(%dma_wait3A_245 : memref<10000x128xf32, #tpu.memory_space<hbm>>) dst(%dma_wait3A_239 : memref<125x128xf32, #tpu.memory_space<vmem>>)
        %add3A_246 = arith.constant 1 : i32
        %add3A_247 = arith.addi %add3A_207, %add3A_246 : i32
        %run_scoped3A_248 = arith.constant 1 : i32
        "tpu.region"() ({
          %run_scoped3A_262 = tpu.sem_alloc : memref<!tpu.dma_semaphore, #tpu.memory_space<semaphore_mem>>
          %dma_start3A_263 = arith.constant 0 : i32
          %dma_start3A_264 = arith.constant 0 : i32
          %dma_start3A_265 = tpu.memref_slice %arg7[%run_scoped3A_248, %dma_start3A_263, %dma_start3A_264] : memref<2x125x128xf32, #tpu.memory_space<vmem>> -> memref<1x125x128xf32, #tpu.memory_space<vmem>>
          %dma_start3A_266 = tpu.memref_squeeze %dma_start3A_265 : memref<1x125x128xf32, #tpu.memory_space<vmem>> -> memref<125x128xf32, #tpu.memory_space<vmem>>
          %dma_start3A_267 = arith.constant 0 : i32
          %dma_start3A_268 = tpu.memref_slice %arg6[%add3A_247, %dma_start3A_267] : memref<16x125xi32, #tpu.memory_space<vmem>> -> memref<1x125xi32, #tpu.memory_space<vmem>>
          %dma_start3A_269 = tpu.memref_squeeze %dma_start3A_268 : memref<1x125xi32, #tpu.memory_space<vmem>> -> memref<125xi32, #tpu.memory_space<vmem>>
          %dma_start3A_270 = arith.constant 0 : i32
          %dma_start3A_271 = arith.constant 0 : i32
          %dma_start3A_272 = tpu.memref_slice %arg8[%dma_start3A_270, %dma_start3A_271] : memref<10000x128xf32, #tpu.memory_space<vmem_shared>> -> memref<10000x128xf32, #tpu.memory_space<vmem_shared>>
          tpu.enqueue_indirect_dma source(%dma_start3A_266 : memref<125x128xf32, #tpu.memory_space<vmem>>) target(%dma_start3A_272 : memref<10000x128xf32, #tpu.memory_space<vmem_shared>>) offsets(%dma_start3A_269 : memref<125xi32, #tpu.memory_space<vmem>>) semaphore(%run_scoped3A_262 : memref<!tpu.dma_semaphore, #tpu.memory_space<semaphore_mem>>) {add = true}
          %dma_wait3A_273 = arith.constant 0 : i32
          %dma_wait3A_274 = arith.constant 0 : i32
          %dma_wait3A_275 = tpu.memref_slice %arg7[%run_scoped3A_248, %dma_wait3A_273, %dma_wait3A_274] : memref<2x125x128xf32, #tpu.memory_space<vmem>> -> memref<1x125x128xf32, #tpu.memory_space<vmem>>
          %dma_wait3A_276 = tpu.memref_squeeze %dma_wait3A_275 : memref<1x125x128xf32, #tpu.memory_space<vmem>> -> memref<125x128xf32, #tpu.memory_space<vmem>>
          %dma_wait3A_277 = arith.constant 0 : i32
          %dma_wait3A_278 = tpu.memref_slice %arg6[%add3A_247, %dma_wait3A_277] : memref<16x125xi32, #tpu.memory_space<vmem>> -> memref<1x125xi32, #tpu.memory_space<vmem>>
          %dma_wait3A_279 = tpu.memref_squeeze %dma_wait3A_278 : memref<1x125xi32, #tpu.memory_space<vmem>> -> memref<125xi32, #tpu.memory_space<vmem>>
          %dma_wait3A_280 = arith.constant 0 : i32
          %dma_wait3A_281 = arith.constant 0 : i32
          %dma_wait3A_282 = tpu.memref_slice %arg8[%dma_wait3A_280, %dma_wait3A_281] : memref<10000x128xf32, #tpu.memory_space<vmem_shared>> -> memref<10000x128xf32, #tpu.memory_space<vmem_shared>>
          tpu.wait_indirect_dma semaphore(%run_scoped3A_262 : memref<!tpu.dma_semaphore, #tpu.memory_space<semaphore_mem>>) src(%dma_wait3A_276 : memref<125x128xf32, #tpu.memory_space<vmem>>) dst(%dma_wait3A_282 : memref<10000x128xf32, #tpu.memory_space<vmem_shared>>)
          tpu.yield
        }) : () -> ()
        %add3A_249 = arith.constant 3 : i32
        %add3A_250 = arith.addi %add3A_207, %add3A_249 : i32
        %dma_start3A_251 = arith.constant 1 : i32
        %dma_start3A_252 = arith.constant 0 : i32
        %dma_start3A_253 = arith.constant 0 : i32
        %dma_start3A_254 = tpu.memref_slice %arg7[%dma_start3A_251, %dma_start3A_252, %dma_start3A_253] : memref<2x125x128xf32, #tpu.memory_space<vmem>> -> memref<1x125x128xf32, #tpu.memory_space<vmem>>
        %dma_start3A_255 = tpu.memref_squeeze %dma_start3A_254 : memref<1x125x128xf32, #tpu.memory_space<vmem>> -> memref<125x128xf32, #tpu.memory_space<vmem>>
        %dma_start3A_256 = arith.constant 0 : i32
        %dma_start3A_257 = tpu.memref_slice %arg5[%add3A_250, %dma_start3A_256] : memref<16x125xi32, #tpu.memory_space<vmem>> -> memref<1x125xi32, #tpu.memory_space<vmem>>
        %dma_start3A_258 = tpu.memref_squeeze %dma_start3A_257 : memref<1x125xi32, #tpu.memory_space<vmem>> -> memref<125xi32, #tpu.memory_space<vmem>>
        %dma_start3A_259 = arith.constant 0 : i32
        %dma_start3A_260 = arith.constant 0 : i32
        %dma_start3A_261 = tpu.memref_slice %arg2[%dma_start3A_259, %dma_start3A_260] : memref<10000x128xf32, #tpu.memory_space<hbm>> -> memref<10000x128xf32, #tpu.memory_space<hbm>>
        tpu.enqueue_indirect_dma source(%dma_start3A_261 : memref<10000x128xf32, #tpu.memory_space<hbm>>) target(%dma_start3A_255 : memref<125x128xf32, #tpu.memory_space<vmem>>) offsets(%dma_start3A_258 : memref<125xi32, #tpu.memory_space<vmem>>) semaphore(%arg10 : memref<!tpu.dma_semaphore, #tpu.memory_space<semaphore_mem>>)
      }
      %scan3A_88 = arith.constant 3 : i32
      %add3A_89 = arith.constant 1 : i32
      %add3A_90 = arith.addi %add3A_76, %add3A_89 : i32
      %lt3A_91 = arith.constant 10 : i32
      %lt3A_92 = arith.cmpi slt, %add3A_90, %lt3A_91 : i32
      %convert_element_type3A_93 = arith.extui %lt3A_92 : i1 to i32
      %cond3A_94 = arith.constant 0 : i32
      %cond3A_95 = arith.cmpi ne, %convert_element_type3A_93, %cond3A_94 : i32
      scf.if %cond3A_95 {
        %add3A_203 = arith.constant 1 : i32
        %add3A_204 = arith.addi %add3A_76, %add3A_203 : i32
        %mul3A_205 = arith.constant 80 : i32
        %mul3A_206 = arith.muli %add3A, %mul3A_205 : i32
        %mul3A_207 = arith.constant 8 : i32
        %mul3A_208 = arith.muli %add3A_204, %mul3A_207 : i32
        %add3A_209 = arith.addi %mul3A_206, %mul3A_208 : i32
        %dma_wait3A_210 = arith.constant 0 : i32
        %dma_wait3A_211 = arith.constant 8 : i32
        %dma_wait3A_212 = arith.constant 0 : i32
        %dma_wait3A_213 = tpu.memref_slice %arg5[%dma_wait3A_211, %dma_wait3A_212] : memref<16x125xi32, #tpu.memory_space<vmem>> -> memref<8x125xi32, #tpu.memory_space<vmem>>
        %dma_wait3A_214 = arith.constant 0 : i32
        %dma_wait3A_215 = tpu.memref_slice %arg3[%dma_wait3A_210, %add3A_209, %dma_wait3A_214] : memref<2x2560x125xi32, #tpu.memory_space<hbm>> -> memref<1x8x125xi32, #tpu.memory_space<hbm>>
        %dma_wait3A_216 = tpu.memref_squeeze %dma_wait3A_215 : memref<1x8x125xi32, #tpu.memory_space<hbm>> -> memref<8x125xi32, #tpu.memory_space<hbm>>
        %dma_wait3A_217 = arith.constant 8 : i32
        %dma_wait3A_218 = arith.constant 0 : i32
        %dma_wait3A_219 = tpu.memref_slice %arg5[%dma_wait3A_217, %dma_wait3A_218] : memref<16x125xi32, #tpu.memory_space<vmem>> -> memref<8x125xi32, #tpu.memory_space<vmem>>
        %dma_wait3A_220 = arith.constant 0 : i32
        %dma_wait3A_221 = tpu.memref_slice %arg3[%dma_wait3A_210, %add3A_209, %dma_wait3A_220] : memref<2x2560x125xi32, #tpu.memory_space<hbm>> -> memref<1x8x125xi32, #tpu.memory_space<hbm>>
        %dma_wait3A_222 = tpu.memref_squeeze %dma_wait3A_221 : memref<1x8x125xi32, #tpu.memory_space<hbm>> -> memref<8x125xi32, #tpu.memory_space<hbm>>
        tpu.wait_dma2 semaphore(%arg11 : memref<!tpu.dma_semaphore, #tpu.memory_space<semaphore_mem>>) src(%dma_wait3A_222 : memref<8x125xi32, #tpu.memory_space<hbm>>) dst(%dma_wait3A_219 : memref<8x125xi32, #tpu.memory_space<vmem>>)
        %dma_wait3A_223 = arith.constant 1 : i32
        %dma_wait3A_224 = arith.constant 8 : i32
        %dma_wait3A_225 = arith.constant 0 : i32
        %dma_wait3A_226 = tpu.memref_slice %arg6[%dma_wait3A_224, %dma_wait3A_225] : memref<16x125xi32, #tpu.memory_space<vmem>> -> memref<8x125xi32, #tpu.memory_space<vmem>>
        %dma_wait3A_227 = arith.constant 0 : i32
        %dma_wait3A_228 = tpu.memref_slice %arg3[%dma_wait3A_223, %add3A_209, %dma_wait3A_227] : memref<2x2560x125xi32, #tpu.memory_space<hbm>> -> memref<1x8x125xi32, #tpu.memory_space<hbm>>
        %dma_wait3A_229 = tpu.memref_squeeze %dma_wait3A_228 : memref<1x8x125xi32, #tpu.memory_space<hbm>> -> memref<8x125xi32, #tpu.memory_space<hbm>>
        %dma_wait3A_230 = arith.constant 8 : i32
        %dma_wait3A_231 = arith.constant 0 : i32
        %dma_wait3A_232 = tpu.memref_slice %arg6[%dma_wait3A_230, %dma_wait3A_231] : memref<16x125xi32, #tpu.memory_space<vmem>> -> memref<8x125xi32, #tpu.memory_space<vmem>>
        %dma_wait3A_233 = arith.constant 0 : i32
        %dma_wait3A_234 = tpu.memref_slice %arg3[%dma_wait3A_223, %add3A_209, %dma_wait3A_233] : memref<2x2560x125xi32, #tpu.memory_space<hbm>> -> memref<1x8x125xi32, #tpu.memory_space<hbm>>
        %dma_wait3A_235 = tpu.memref_squeeze %dma_wait3A_234 : memref<1x8x125xi32, #tpu.memory_space<hbm>> -> memref<8x125xi32, #tpu.memory_space<hbm>>
        tpu.wait_dma2 semaphore(%arg12 : memref<!tpu.dma_semaphore, #tpu.memory_space<semaphore_mem>>) src(%dma_wait3A_235 : memref<8x125xi32, #tpu.memory_space<hbm>>) dst(%dma_wait3A_232 : memref<8x125xi32, #tpu.memory_space<vmem>>)
      } else {
      }
      %dma_wait3A = arith.constant 6 : i32
      %dma_wait3A_96 = arith.constant 0 : i32
      %dma_wait3A_97 = arith.constant 0 : i32
      %dma_wait3A_98 = arith.constant 0 : i32
      %dma_wait3A_99 = tpu.memref_slice %arg7[%dma_wait3A_96, %dma_wait3A_97, %dma_wait3A_98] : memref<2x125x128xf32, #tpu.memory_space<vmem>> -> memref<1x125x128xf32, #tpu.memory_space<vmem>>
      %dma_wait3A_100 = tpu.memref_squeeze %dma_wait3A_99 : memref<1x125x128xf32, #tpu.memory_space<vmem>> -> memref<125x128xf32, #tpu.memory_space<vmem>>
      %dma_wait3A_101 = arith.constant 0 : i32
      %dma_wait3A_102 = tpu.memref_slice %arg5[%dma_wait3A, %dma_wait3A_101] : memref<16x125xi32, #tpu.memory_space<vmem>> -> memref<1x125xi32, #tpu.memory_space<vmem>>
      %dma_wait3A_103 = tpu.memref_squeeze %dma_wait3A_102 : memref<1x125xi32, #tpu.memory_space<vmem>> -> memref<125xi32, #tpu.memory_space<vmem>>
      %dma_wait3A_104 = arith.constant 0 : i32
      %dma_wait3A_105 = arith.constant 0 : i32
      %dma_wait3A_106 = tpu.memref_slice %arg2[%dma_wait3A_104, %dma_wait3A_105] : memref<10000x128xf32, #tpu.memory_space<hbm>> -> memref<10000x128xf32, #tpu.memory_space<hbm>>
      tpu.wait_indirect_dma semaphore(%arg9 : memref<!tpu.dma_semaphore, #tpu.memory_space<semaphore_mem>>) src(%dma_wait3A_106 : memref<10000x128xf32, #tpu.memory_space<hbm>>) dst(%dma_wait3A_100 : memref<125x128xf32, #tpu.memory_space<vmem>>)
      %run_scoped3A_107 = arith.constant 0 : i32
      %run_scoped3A_108 = arith.constant 6 : i32
      "tpu.region"() ({
        %run_scoped3A_203 = tpu.sem_alloc : memref<!tpu.dma_semaphore, #tpu.memory_space<semaphore_mem>>
        %dma_start3A_204 = arith.constant 0 : i32
        %dma_start3A_205 = arith.constant 0 : i32
        %dma_start3A_206 = tpu.memref_slice %arg7[%run_scoped3A_107, %dma_start3A_204, %dma_start3A_205] : memref<2x125x128xf32, #tpu.memory_space<vmem>> -> memref<1x125x128xf32, #tpu.memory_space<vmem>>
        %dma_start3A_207 = tpu.memref_squeeze %dma_start3A_206 : memref<1x125x128xf32, #tpu.memory_space<vmem>> -> memref<125x128xf32, #tpu.memory_space<vmem>>
        %dma_start3A_208 = arith.constant 0 : i32
        %dma_start3A_209 = tpu.memref_slice %arg6[%run_scoped3A_108, %dma_start3A_208] : memref<16x125xi32, #tpu.memory_space<vmem>> -> memref<1x125xi32, #tpu.memory_space<vmem>>
        %dma_start3A_210 = tpu.memref_squeeze %dma_start3A_209 : memref<1x125xi32, #tpu.memory_space<vmem>> -> memref<125xi32, #tpu.memory_space<vmem>>
        %dma_start3A_211 = arith.constant 0 : i32
        %dma_start3A_212 = arith.constant 0 : i32
        %dma_start3A_213 = tpu.memref_slice %arg8[%dma_start3A_211, %dma_start3A_212] : memref<10000x128xf32, #tpu.memory_space<vmem_shared>> -> memref<10000x128xf32, #tpu.memory_space<vmem_shared>>
        tpu.enqueue_indirect_dma source(%dma_start3A_207 : memref<125x128xf32, #tpu.memory_space<vmem>>) target(%dma_start3A_213 : memref<10000x128xf32, #tpu.memory_space<vmem_shared>>) offsets(%dma_start3A_210 : memref<125xi32, #tpu.memory_space<vmem>>) semaphore(%run_scoped3A_203 : memref<!tpu.dma_semaphore, #tpu.memory_space<semaphore_mem>>) {add = true}
        %dma_wait3A_214 = arith.constant 0 : i32
        %dma_wait3A_215 = arith.constant 0 : i32
        %dma_wait3A_216 = tpu.memref_slice %arg7[%run_scoped3A_107, %dma_wait3A_214, %dma_wait3A_215] : memref<2x125x128xf32, #tpu.memory_space<vmem>> -> memref<1x125x128xf32, #tpu.memory_space<vmem>>
        %dma_wait3A_217 = tpu.memref_squeeze %dma_wait3A_216 : memref<1x125x128xf32, #tpu.memory_space<vmem>> -> memref<125x128xf32, #tpu.memory_space<vmem>>
        %dma_wait3A_218 = arith.constant 0 : i32
        %dma_wait3A_219 = tpu.memref_slice %arg6[%run_scoped3A_108, %dma_wait3A_218] : memref<16x125xi32, #tpu.memory_space<vmem>> -> memref<1x125xi32, #tpu.memory_space<vmem>>
        %dma_wait3A_220 = tpu.memref_squeeze %dma_wait3A_219 : memref<1x125xi32, #tpu.memory_space<vmem>> -> memref<125xi32, #tpu.memory_space<vmem>>
        %dma_wait3A_221 = arith.constant 0 : i32
        %dma_wait3A_222 = arith.constant 0 : i32
        %dma_wait3A_223 = tpu.memref_slice %arg8[%dma_wait3A_221, %dma_wait3A_222] : memref<10000x128xf32, #tpu.memory_space<vmem_shared>> -> memref<10000x128xf32, #tpu.memory_space<vmem_shared>>
        tpu.wait_indirect_dma semaphore(%run_scoped3A_203 : memref<!tpu.dma_semaphore, #tpu.memory_space<semaphore_mem>>) src(%dma_wait3A_217 : memref<125x128xf32, #tpu.memory_space<vmem>>) dst(%dma_wait3A_223 : memref<10000x128xf32, #tpu.memory_space<vmem_shared>>)
        tpu.yield
      }) : () -> ()
      %add3A_109 = arith.constant 1 : i32
      %add3A_110 = arith.addi %add3A_76, %add3A_109 : i32
      %lt3A_111 = arith.constant 10 : i32
      %lt3A_112 = arith.cmpi slt, %add3A_110, %lt3A_111 : i32
      %convert_element_type3A_113 = arith.extui %lt3A_112 : i1 to i32
      %cond3A_114 = arith.constant 0 : i32
      %cond3A_115 = arith.cmpi ne, %convert_element_type3A_113, %cond3A_114 : i32
      scf.if %cond3A_115 {
        %dma_start3A_203 = arith.constant 8 : i32
        %dma_start3A_204 = arith.constant 0 : i32
        %dma_start3A_205 = arith.constant 0 : i32
        %dma_start3A_206 = arith.constant 0 : i32
        %dma_start3A_207 = tpu.memref_slice %arg7[%dma_start3A_204, %dma_start3A_205, %dma_start3A_206] : memref<2x125x128xf32, #tpu.memory_space<vmem>> -> memref<1x125x128xf32, #tpu.memory_space<vmem>>
        %dma_start3A_208 = tpu.memref_squeeze %dma_start3A_207 : memref<1x125x128xf32, #tpu.memory_space<vmem>> -> memref<125x128xf32, #tpu.memory_space<vmem>>
        %dma_start3A_209 = arith.constant 0 : i32
        %dma_start3A_210 = tpu.memref_slice %arg5[%dma_start3A_203, %dma_start3A_209] : memref<16x125xi32, #tpu.memory_space<vmem>> -> memref<1x125xi32, #tpu.memory_space<vmem>>
        %dma_start3A_211 = tpu.memref_squeeze %dma_start3A_210 : memref<1x125xi32, #tpu.memory_space<vmem>> -> memref<125xi32, #tpu.memory_space<vmem>>
        %dma_start3A_212 = arith.constant 0 : i32
        %dma_start3A_213 = arith.constant 0 : i32
        %dma_start3A_214 = tpu.memref_slice %arg2[%dma_start3A_212, %dma_start3A_213] : memref<10000x128xf32, #tpu.memory_space<hbm>> -> memref<10000x128xf32, #tpu.memory_space<hbm>>
        tpu.enqueue_indirect_dma source(%dma_start3A_214 : memref<10000x128xf32, #tpu.memory_space<hbm>>) target(%dma_start3A_208 : memref<125x128xf32, #tpu.memory_space<vmem>>) offsets(%dma_start3A_211 : memref<125xi32, #tpu.memory_space<vmem>>) semaphore(%arg9 : memref<!tpu.dma_semaphore, #tpu.memory_space<semaphore_mem>>)
      } else {
      }
      %dma_wait3A_116 = arith.constant 7 : i32
      %dma_wait3A_117 = arith.constant 1 : i32
      %dma_wait3A_118 = arith.constant 0 : i32
      %dma_wait3A_119 = arith.constant 0 : i32
      %dma_wait3A_120 = tpu.memref_slice %arg7[%dma_wait3A_117, %dma_wait3A_118, %dma_wait3A_119] : memref<2x125x128xf32, #tpu.memory_space<vmem>> -> memref<1x125x128xf32, #tpu.memory_space<vmem>>
      %dma_wait3A_121 = tpu.memref_squeeze %dma_wait3A_120 : memref<1x125x128xf32, #tpu.memory_space<vmem>> -> memref<125x128xf32, #tpu.memory_space<vmem>>
      %dma_wait3A_122 = arith.constant 0 : i32
      %dma_wait3A_123 = tpu.memref_slice %arg5[%dma_wait3A_116, %dma_wait3A_122] : memref<16x125xi32, #tpu.memory_space<vmem>> -> memref<1x125xi32, #tpu.memory_space<vmem>>
      %dma_wait3A_124 = tpu.memref_squeeze %dma_wait3A_123 : memref<1x125xi32, #tpu.memory_space<vmem>> -> memref<125xi32, #tpu.memory_space<vmem>>
      %dma_wait3A_125 = arith.constant 0 : i32
      %dma_wait3A_126 = arith.constant 0 : i32
      %dma_wait3A_127 = tpu.memref_slice %arg2[%dma_wait3A_125, %dma_wait3A_126] : memref<10000x128xf32, #tpu.memory_space<hbm>> -> memref<10000x128xf32, #tpu.memory_space<hbm>>
      tpu.wait_indirect_dma semaphore(%arg10 : memref<!tpu.dma_semaphore, #tpu.memory_space<semaphore_mem>>) src(%dma_wait3A_127 : memref<10000x128xf32, #tpu.memory_space<hbm>>) dst(%dma_wait3A_121 : memref<125x128xf32, #tpu.memory_space<vmem>>)
      %run_scoped3A_128 = arith.constant 1 : i32
      %run_scoped3A_129 = arith.constant 7 : i32
      "tpu.region"() ({
        %run_scoped3A_203 = tpu.sem_alloc : memref<!tpu.dma_semaphore, #tpu.memory_space<semaphore_mem>>
        %dma_start3A_204 = arith.constant 0 : i32
        %dma_start3A_205 = arith.constant 0 : i32
        %dma_start3A_206 = tpu.memref_slice %arg7[%run_scoped3A_128, %dma_start3A_204, %dma_start3A_205] : memref<2x125x128xf32, #tpu.memory_space<vmem>> -> memref<1x125x128xf32, #tpu.memory_space<vmem>>
        %dma_start3A_207 = tpu.memref_squeeze %dma_start3A_206 : memref<1x125x128xf32, #tpu.memory_space<vmem>> -> memref<125x128xf32, #tpu.memory_space<vmem>>
        %dma_start3A_208 = arith.constant 0 : i32
        %dma_start3A_209 = tpu.memref_slice %arg6[%run_scoped3A_129, %dma_start3A_208] : memref<16x125xi32, #tpu.memory_space<vmem>> -> memref<1x125xi32, #tpu.memory_space<vmem>>
        %dma_start3A_210 = tpu.memref_squeeze %dma_start3A_209 : memref<1x125xi32, #tpu.memory_space<vmem>> -> memref<125xi32, #tpu.memory_space<vmem>>
        %dma_start3A_211 = arith.constant 0 : i32
        %dma_start3A_212 = arith.constant 0 : i32
        %dma_start3A_213 = tpu.memref_slice %arg8[%dma_start3A_211, %dma_start3A_212] : memref<10000x128xf32, #tpu.memory_space<vmem_shared>> -> memref<10000x128xf32, #tpu.memory_space<vmem_shared>>
        tpu.enqueue_indirect_dma source(%dma_start3A_207 : memref<125x128xf32, #tpu.memory_space<vmem>>) target(%dma_start3A_213 : memref<10000x128xf32, #tpu.memory_space<vmem_shared>>) offsets(%dma_start3A_210 : memref<125xi32, #tpu.memory_space<vmem>>) semaphore(%run_scoped3A_203 : memref<!tpu.dma_semaphore, #tpu.memory_space<semaphore_mem>>) {add = true}
        %dma_wait3A_214 = arith.constant 0 : i32
        %dma_wait3A_215 = arith.constant 0 : i32
        %dma_wait3A_216 = tpu.memref_slice %arg7[%run_scoped3A_128, %dma_wait3A_214, %dma_wait3A_215] : memref<2x125x128xf32, #tpu.memory_space<vmem>> -> memref<1x125x128xf32, #tpu.memory_space<vmem>>
        %dma_wait3A_217 = tpu.memref_squeeze %dma_wait3A_216 : memref<1x125x128xf32, #tpu.memory_space<vmem>> -> memref<125x128xf32, #tpu.memory_space<vmem>>
        %dma_wait3A_218 = arith.constant 0 : i32
        %dma_wait3A_219 = tpu.memref_slice %arg6[%run_scoped3A_129, %dma_wait3A_218] : memref<16x125xi32, #tpu.memory_space<vmem>> -> memref<1x125xi32, #tpu.memory_space<vmem>>
        %dma_wait3A_220 = tpu.memref_squeeze %dma_wait3A_219 : memref<1x125xi32, #tpu.memory_space<vmem>> -> memref<125xi32, #tpu.memory_space<vmem>>
        %dma_wait3A_221 = arith.constant 0 : i32
        %dma_wait3A_222 = arith.constant 0 : i32
        %dma_wait3A_223 = tpu.memref_slice %arg8[%dma_wait3A_221, %dma_wait3A_222] : memref<10000x128xf32, #tpu.memory_space<vmem_shared>> -> memref<10000x128xf32, #tpu.memory_space<vmem_shared>>
        tpu.wait_indirect_dma semaphore(%run_scoped3A_203 : memref<!tpu.dma_semaphore, #tpu.memory_space<semaphore_mem>>) src(%dma_wait3A_217 : memref<125x128xf32, #tpu.memory_space<vmem>>) dst(%dma_wait3A_223 : memref<10000x128xf32, #tpu.memory_space<vmem_shared>>)
        tpu.yield
      }) : () -> ()
      %add3A_130 = arith.constant 1 : i32
      %add3A_131 = arith.addi %add3A_76, %add3A_130 : i32
      %lt3A_132 = arith.constant 10 : i32
      %lt3A_133 = arith.cmpi slt, %add3A_131, %lt3A_132 : i32
      %convert_element_type3A_134 = arith.extui %lt3A_133 : i1 to i32
      %cond3A_135 = arith.constant 0 : i32
      %cond3A_136 = arith.cmpi ne, %convert_element_type3A_134, %cond3A_135 : i32
      scf.if %cond3A_136 {
        %dma_start3A_203 = arith.constant 9 : i32
        %dma_start3A_204 = arith.constant 1 : i32
        %dma_start3A_205 = arith.constant 0 : i32
        %dma_start3A_206 = arith.constant 0 : i32
        %dma_start3A_207 = tpu.memref_slice %arg7[%dma_start3A_204, %dma_start3A_205, %dma_start3A_206] : memref<2x125x128xf32, #tpu.memory_space<vmem>> -> memref<1x125x128xf32, #tpu.memory_space<vmem>>
        %dma_start3A_208 = tpu.memref_squeeze %dma_start3A_207 : memref<1x125x128xf32, #tpu.memory_space<vmem>> -> memref<125x128xf32, #tpu.memory_space<vmem>>
        %dma_start3A_209 = arith.constant 0 : i32
        %dma_start3A_210 = tpu.memref_slice %arg5[%dma_start3A_203, %dma_start3A_209] : memref<16x125xi32, #tpu.memory_space<vmem>> -> memref<1x125xi32, #tpu.memory_space<vmem>>
        %dma_start3A_211 = tpu.memref_squeeze %dma_start3A_210 : memref<1x125xi32, #tpu.memory_space<vmem>> -> memref<125xi32, #tpu.memory_space<vmem>>
        %dma_start3A_212 = arith.constant 0 : i32
        %dma_start3A_213 = arith.constant 0 : i32
        %dma_start3A_214 = tpu.memref_slice %arg2[%dma_start3A_212, %dma_start3A_213] : memref<10000x128xf32, #tpu.memory_space<hbm>> -> memref<10000x128xf32, #tpu.memory_space<hbm>>
        tpu.enqueue_indirect_dma source(%dma_start3A_214 : memref<10000x128xf32, #tpu.memory_space<hbm>>) target(%dma_start3A_208 : memref<125x128xf32, #tpu.memory_space<vmem>>) offsets(%dma_start3A_211 : memref<125xi32, #tpu.memory_space<vmem>>) semaphore(%arg10 : memref<!tpu.dma_semaphore, #tpu.memory_space<semaphore_mem>>)
      } else {
      }
      %mul3A_137 = arith.constant 2 : i32
      %mul3A_138 = arith.muli %mul3A_137, %scan3A_72 : i32
      %add3A_139 = arith.constant 1 : i32
      %add3A_140 = arith.addi %mul3A_138, %add3A_139 : i32
      %add3A_141 = arith.constant 1 : i32
      %add3A_142 = arith.addi %add3A_140, %add3A_141 : i32
      %lt3A_143 = arith.constant 10 : i32
      %lt3A_144 = arith.cmpi slt, %add3A_142, %lt3A_143 : i32
      %convert_element_type3A_145 = arith.extui %lt3A_144 : i1 to i32
      %cond3A_146 = arith.constant 0 : i32
      %cond3A_147 = arith.cmpi ne, %convert_element_type3A_145, %cond3A_146 : i32
      scf.if %cond3A_147 {
        %add3A_203 = arith.constant 1 : i32
        %add3A_204 = arith.addi %add3A_140, %add3A_203 : i32
        %mul3A_205 = arith.constant 80 : i32
        %mul3A_206 = arith.muli %add3A, %mul3A_205 : i32
        %mul3A_207 = arith.constant 8 : i32
        %mul3A_208 = arith.muli %add3A_204, %mul3A_207 : i32
        %add3A_209 = arith.addi %mul3A_206, %mul3A_208 : i32
        %dma_start3A_210 = arith.constant 0 : i32
        %dma_start3A_211 = arith.constant 0 : i32
        %dma_start3A_212 = arith.constant 0 : i32
        %dma_start3A_213 = tpu.memref_slice %arg5[%dma_start3A_211, %dma_start3A_212] : memref<16x125xi32, #tpu.memory_space<vmem>> -> memref<8x125xi32, #tpu.memory_space<vmem>>
        %dma_start3A_214 = arith.constant 0 : i32
        %dma_start3A_215 = tpu.memref_slice %arg3[%dma_start3A_210, %add3A_209, %dma_start3A_214] : memref<2x2560x125xi32, #tpu.memory_space<hbm>> -> memref<1x8x125xi32, #tpu.memory_space<hbm>>
        %dma_start3A_216 = tpu.memref_squeeze %dma_start3A_215 : memref<1x8x125xi32, #tpu.memory_space<hbm>> -> memref<8x125xi32, #tpu.memory_space<hbm>>
        %dma_start3A_217 = arith.constant 0 : i32
        %dma_start3A_218 = arith.constant 0 : i32
        %dma_start3A_219 = tpu.memref_slice %arg5[%dma_start3A_217, %dma_start3A_218] : memref<16x125xi32, #tpu.memory_space<vmem>> -> memref<8x125xi32, #tpu.memory_space<vmem>>
        %dma_start3A_220 = arith.constant 0 : i32
        %dma_start3A_221 = tpu.memref_slice %arg3[%dma_start3A_210, %add3A_209, %dma_start3A_220] : memref<2x2560x125xi32, #tpu.memory_space<hbm>> -> memref<1x8x125xi32, #tpu.memory_space<hbm>>
        %dma_start3A_222 = tpu.memref_squeeze %dma_start3A_221 : memref<1x8x125xi32, #tpu.memory_space<hbm>> -> memref<8x125xi32, #tpu.memory_space<hbm>>
        tpu.enqueue_dma source(%dma_start3A_222 : memref<8x125xi32, #tpu.memory_space<hbm>>) target(%dma_start3A_219 : memref<8x125xi32, #tpu.memory_space<vmem>>) target_semaphore(%arg11 : memref<!tpu.dma_semaphore, #tpu.memory_space<semaphore_mem>>)
        %dma_start3A_223 = arith.constant 1 : i32
        %dma_start3A_224 = arith.constant 0 : i32
        %dma_start3A_225 = arith.constant 0 : i32
        %dma_start3A_226 = tpu.memref_slice %arg6[%dma_start3A_224, %dma_start3A_225] : memref<16x125xi32, #tpu.memory_space<vmem>> -> memref<8x125xi32, #tpu.memory_space<vmem>>
        %dma_start3A_227 = arith.constant 0 : i32
        %dma_start3A_228 = tpu.memref_slice %arg3[%dma_start3A_223, %add3A_209, %dma_start3A_227] : memref<2x2560x125xi32, #tpu.memory_space<hbm>> -> memref<1x8x125xi32, #tpu.memory_space<hbm>>
        %dma_start3A_229 = tpu.memref_squeeze %dma_start3A_228 : memref<1x8x125xi32, #tpu.memory_space<hbm>> -> memref<8x125xi32, #tpu.memory_space<hbm>>
        %dma_start3A_230 = arith.constant 0 : i32
        %dma_start3A_231 = arith.constant 0 : i32
        %dma_start3A_232 = tpu.memref_slice %arg6[%dma_start3A_230, %dma_start3A_231] : memref<16x125xi32, #tpu.memory_space<vmem>> -> memref<8x125xi32, #tpu.memory_space<vmem>>
        %dma_start3A_233 = arith.constant 0 : i32
        %dma_start3A_234 = tpu.memref_slice %arg3[%dma_start3A_223, %add3A_209, %dma_start3A_233] : memref<2x2560x125xi32, #tpu.memory_space<hbm>> -> memref<1x8x125xi32, #tpu.memory_space<hbm>>
        %dma_start3A_235 = tpu.memref_squeeze %dma_start3A_234 : memref<1x8x125xi32, #tpu.memory_space<hbm>> -> memref<8x125xi32, #tpu.memory_space<hbm>>
        tpu.enqueue_dma source(%dma_start3A_235 : memref<8x125xi32, #tpu.memory_space<hbm>>) target(%dma_start3A_232 : memref<8x125xi32, #tpu.memory_space<vmem>>) target_semaphore(%arg12 : memref<!tpu.dma_semaphore, #tpu.memory_space<semaphore_mem>>)
      } else {
      }
      %scan3A_148 = arith.constant 0 : i32
      %scan3A_149 = arith.constant 0 : i32
      %scan3A_150 = arith.constant 3 : i32
      %scan3A_151 = arith.addi %scan3A_149, %scan3A_150 : i32
      %scan3A_152 = arith.constant 1 : i32
      scf.for %scan3A_203 = %scan3A_149 to %scan3A_151 step %scan3A_152  : i32 {
        %mul3A_204 = arith.constant 2 : i32
        %mul3A_205 = arith.muli %mul3A_204, %scan3A_203 : i32
        %add3A_206 = arith.constant 8 : i32
        %add3A_207 = arith.addi %add3A_206, %mul3A_205 : i32
        %dma_wait3A_208 = arith.constant 0 : i32
        %dma_wait3A_209 = arith.constant 0 : i32
        %dma_wait3A_210 = arith.constant 0 : i32
        %dma_wait3A_211 = tpu.memref_slice %arg7[%dma_wait3A_208, %dma_wait3A_209, %dma_wait3A_210] : memref<2x125x128xf32, #tpu.memory_space<vmem>> -> memref<1x125x128xf32, #tpu.memory_space<vmem>>
        %dma_wait3A_212 = tpu.memref_squeeze %dma_wait3A_211 : memref<1x125x128xf32, #tpu.memory_space<vmem>> -> memref<125x128xf32, #tpu.memory_space<vmem>>
        %dma_wait3A_213 = arith.constant 0 : i32
        %dma_wait3A_214 = tpu.memref_slice %arg5[%add3A_207, %dma_wait3A_213] : memref<16x125xi32, #tpu.memory_space<vmem>> -> memref<1x125xi32, #tpu.memory_space<vmem>>
        %dma_wait3A_215 = tpu.memref_squeeze %dma_wait3A_214 : memref<1x125xi32, #tpu.memory_space<vmem>> -> memref<125xi32, #tpu.memory_space<vmem>>
        %dma_wait3A_216 = arith.constant 0 : i32
        %dma_wait3A_217 = arith.constant 0 : i32
        %dma_wait3A_218 = tpu.memref_slice %arg2[%dma_wait3A_216, %dma_wait3A_217] : memref<10000x128xf32, #tpu.memory_space<hbm>> -> memref<10000x128xf32, #tpu.memory_space<hbm>>
        tpu.wait_indirect_dma semaphore(%arg9 : memref<!tpu.dma_semaphore, #tpu.memory_space<semaphore_mem>>) src(%dma_wait3A_218 : memref<10000x128xf32, #tpu.memory_space<hbm>>) dst(%dma_wait3A_212 : memref<125x128xf32, #tpu.memory_space<vmem>>)
        %run_scoped3A_219 = arith.constant 0 : i32
        "tpu.region"() ({
          %run_scoped3A_262 = tpu.sem_alloc : memref<!tpu.dma_semaphore, #tpu.memory_space<semaphore_mem>>
          %dma_start3A_263 = arith.constant 0 : i32
          %dma_start3A_264 = arith.constant 0 : i32
          %dma_start3A_265 = tpu.memref_slice %arg7[%run_scoped3A_219, %dma_start3A_263, %dma_start3A_264] : memref<2x125x128xf32, #tpu.memory_space<vmem>> -> memref<1x125x128xf32, #tpu.memory_space<vmem>>
          %dma_start3A_266 = tpu.memref_squeeze %dma_start3A_265 : memref<1x125x128xf32, #tpu.memory_space<vmem>> -> memref<125x128xf32, #tpu.memory_space<vmem>>
          %dma_start3A_267 = arith.constant 0 : i32
          %dma_start3A_268 = tpu.memref_slice %arg6[%add3A_207, %dma_start3A_267] : memref<16x125xi32, #tpu.memory_space<vmem>> -> memref<1x125xi32, #tpu.memory_space<vmem>>
          %dma_start3A_269 = tpu.memref_squeeze %dma_start3A_268 : memref<1x125xi32, #tpu.memory_space<vmem>> -> memref<125xi32, #tpu.memory_space<vmem>>
          %dma_start3A_270 = arith.constant 0 : i32
          %dma_start3A_271 = arith.constant 0 : i32
          %dma_start3A_272 = tpu.memref_slice %arg8[%dma_start3A_270, %dma_start3A_271] : memref<10000x128xf32, #tpu.memory_space<vmem_shared>> -> memref<10000x128xf32, #tpu.memory_space<vmem_shared>>
          tpu.enqueue_indirect_dma source(%dma_start3A_266 : memref<125x128xf32, #tpu.memory_space<vmem>>) target(%dma_start3A_272 : memref<10000x128xf32, #tpu.memory_space<vmem_shared>>) offsets(%dma_start3A_269 : memref<125xi32, #tpu.memory_space<vmem>>) semaphore(%run_scoped3A_262 : memref<!tpu.dma_semaphore, #tpu.memory_space<semaphore_mem>>) {add = true}
          %dma_wait3A_273 = arith.constant 0 : i32
          %dma_wait3A_274 = arith.constant 0 : i32
          %dma_wait3A_275 = tpu.memref_slice %arg7[%run_scoped3A_219, %dma_wait3A_273, %dma_wait3A_274] : memref<2x125x128xf32, #tpu.memory_space<vmem>> -> memref<1x125x128xf32, #tpu.memory_space<vmem>>
          %dma_wait3A_276 = tpu.memref_squeeze %dma_wait3A_275 : memref<1x125x128xf32, #tpu.memory_space<vmem>> -> memref<125x128xf32, #tpu.memory_space<vmem>>
          %dma_wait3A_277 = arith.constant 0 : i32
          %dma_wait3A_278 = tpu.memref_slice %arg6[%add3A_207, %dma_wait3A_277] : memref<16x125xi32, #tpu.memory_space<vmem>> -> memref<1x125xi32, #tpu.memory_space<vmem>>
          %dma_wait3A_279 = tpu.memref_squeeze %dma_wait3A_278 : memref<1x125xi32, #tpu.memory_space<vmem>> -> memref<125xi32, #tpu.memory_space<vmem>>
          %dma_wait3A_280 = arith.constant 0 : i32
          %dma_wait3A_281 = arith.constant 0 : i32
          %dma_wait3A_282 = tpu.memref_slice %arg8[%dma_wait3A_280, %dma_wait3A_281] : memref<10000x128xf32, #tpu.memory_space<vmem_shared>> -> memref<10000x128xf32, #tpu.memory_space<vmem_shared>>
          tpu.wait_indirect_dma semaphore(%run_scoped3A_262 : memref<!tpu.dma_semaphore, #tpu.memory_space<semaphore_mem>>) src(%dma_wait3A_276 : memref<125x128xf32, #tpu.memory_space<vmem>>) dst(%dma_wait3A_282 : memref<10000x128xf32, #tpu.memory_space<vmem_shared>>)
          tpu.yield
        }) : () -> ()
        %add3A_220 = arith.constant 2 : i32
        %add3A_221 = arith.addi %add3A_207, %add3A_220 : i32
        %dma_start3A_222 = arith.constant 0 : i32
        %dma_start3A_223 = arith.constant 0 : i32
        %dma_start3A_224 = arith.constant 0 : i32
        %dma_start3A_225 = tpu.memref_slice %arg7[%dma_start3A_222, %dma_start3A_223, %dma_start3A_224] : memref<2x125x128xf32, #tpu.memory_space<vmem>> -> memref<1x125x128xf32, #tpu.memory_space<vmem>>
        %dma_start3A_226 = tpu.memref_squeeze %dma_start3A_225 : memref<1x125x128xf32, #tpu.memory_space<vmem>> -> memref<125x128xf32, #tpu.memory_space<vmem>>
        %dma_start3A_227 = arith.constant 0 : i32
        %dma_start3A_228 = tpu.memref_slice %arg5[%add3A_221, %dma_start3A_227] : memref<16x125xi32, #tpu.memory_space<vmem>> -> memref<1x125xi32, #tpu.memory_space<vmem>>
        %dma_start3A_229 = tpu.memref_squeeze %dma_start3A_228 : memref<1x125xi32, #tpu.memory_space<vmem>> -> memref<125xi32, #tpu.memory_space<vmem>>
        %dma_start3A_230 = arith.constant 0 : i32
        %dma_start3A_231 = arith.constant 0 : i32
        %dma_start3A_232 = tpu.memref_slice %arg2[%dma_start3A_230, %dma_start3A_231] : memref<10000x128xf32, #tpu.memory_space<hbm>> -> memref<10000x128xf32, #tpu.memory_space<hbm>>
        tpu.enqueue_indirect_dma source(%dma_start3A_232 : memref<10000x128xf32, #tpu.memory_space<hbm>>) target(%dma_start3A_226 : memref<125x128xf32, #tpu.memory_space<vmem>>) offsets(%dma_start3A_229 : memref<125xi32, #tpu.memory_space<vmem>>) semaphore(%arg9 : memref<!tpu.dma_semaphore, #tpu.memory_space<semaphore_mem>>)
        %add3A_233 = arith.constant 1 : i32
        %add3A_234 = arith.addi %add3A_207, %add3A_233 : i32
        %dma_wait3A_235 = arith.constant 1 : i32
        %dma_wait3A_236 = arith.constant 0 : i32
        %dma_wait3A_237 = arith.constant 0 : i32
        %dma_wait3A_238 = tpu.memref_slice %arg7[%dma_wait3A_235, %dma_wait3A_236, %dma_wait3A_237] : memref<2x125x128xf32, #tpu.memory_space<vmem>> -> memref<1x125x128xf32, #tpu.memory_space<vmem>>
        %dma_wait3A_239 = tpu.memref_squeeze %dma_wait3A_238 : memref<1x125x128xf32, #tpu.memory_space<vmem>> -> memref<125x128xf32, #tpu.memory_space<vmem>>
        %dma_wait3A_240 = arith.constant 0 : i32
        %dma_wait3A_241 = tpu.memref_slice %arg5[%add3A_234, %dma_wait3A_240] : memref<16x125xi32, #tpu.memory_space<vmem>> -> memref<1x125xi32, #tpu.memory_space<vmem>>
        %dma_wait3A_242 = tpu.memref_squeeze %dma_wait3A_241 : memref<1x125xi32, #tpu.memory_space<vmem>> -> memref<125xi32, #tpu.memory_space<vmem>>
        %dma_wait3A_243 = arith.constant 0 : i32
        %dma_wait3A_244 = arith.constant 0 : i32
        %dma_wait3A_245 = tpu.memref_slice %arg2[%dma_wait3A_243, %dma_wait3A_244] : memref<10000x128xf32, #tpu.memory_space<hbm>> -> memref<10000x128xf32, #tpu.memory_space<hbm>>
        tpu.wait_indirect_dma semaphore(%arg10 : memref<!tpu.dma_semaphore, #tpu.memory_space<semaphore_mem>>) src(%dma_wait3A_245 : memref<10000x128xf32, #tpu.memory_space<hbm>>) dst(%dma_wait3A_239 : memref<125x128xf32, #tpu.memory_space<vmem>>)
        %add3A_246 = arith.constant 1 : i32
        %add3A_247 = arith.addi %add3A_207, %add3A_246 : i32
        %run_scoped3A_248 = arith.constant 1 : i32
        "tpu.region"() ({
          %run_scoped3A_262 = tpu.sem_alloc : memref<!tpu.dma_semaphore, #tpu.memory_space<semaphore_mem>>
          %dma_start3A_263 = arith.constant 0 : i32
          %dma_start3A_264 = arith.constant 0 : i32
          %dma_start3A_265 = tpu.memref_slice %arg7[%run_scoped3A_248, %dma_start3A_263, %dma_start3A_264] : memref<2x125x128xf32, #tpu.memory_space<vmem>> -> memref<1x125x128xf32, #tpu.memory_space<vmem>>
          %dma_start3A_266 = tpu.memref_squeeze %dma_start3A_265 : memref<1x125x128xf32, #tpu.memory_space<vmem>> -> memref<125x128xf32, #tpu.memory_space<vmem>>
          %dma_start3A_267 = arith.constant 0 : i32
          %dma_start3A_268 = tpu.memref_slice %arg6[%add3A_247, %dma_start3A_267] : memref<16x125xi32, #tpu.memory_space<vmem>> -> memref<1x125xi32, #tpu.memory_space<vmem>>
          %dma_start3A_269 = tpu.memref_squeeze %dma_start3A_268 : memref<1x125xi32, #tpu.memory_space<vmem>> -> memref<125xi32, #tpu.memory_space<vmem>>
          %dma_start3A_270 = arith.constant 0 : i32
          %dma_start3A_271 = arith.constant 0 : i32
          %dma_start3A_272 = tpu.memref_slice %arg8[%dma_start3A_270, %dma_start3A_271] : memref<10000x128xf32, #tpu.memory_space<vmem_shared>> -> memref<10000x128xf32, #tpu.memory_space<vmem_shared>>
          tpu.enqueue_indirect_dma source(%dma_start3A_266 : memref<125x128xf32, #tpu.memory_space<vmem>>) target(%dma_start3A_272 : memref<10000x128xf32, #tpu.memory_space<vmem_shared>>) offsets(%dma_start3A_269 : memref<125xi32, #tpu.memory_space<vmem>>) semaphore(%run_scoped3A_262 : memref<!tpu.dma_semaphore, #tpu.memory_space<semaphore_mem>>) {add = true}
          %dma_wait3A_273 = arith.constant 0 : i32
          %dma_wait3A_274 = arith.constant 0 : i32
          %dma_wait3A_275 = tpu.memref_slice %arg7[%run_scoped3A_248, %dma_wait3A_273, %dma_wait3A_274] : memref<2x125x128xf32, #tpu.memory_space<vmem>> -> memref<1x125x128xf32, #tpu.memory_space<vmem>>
          %dma_wait3A_276 = tpu.memref_squeeze %dma_wait3A_275 : memref<1x125x128xf32, #tpu.memory_space<vmem>> -> memref<125x128xf32, #tpu.memory_space<vmem>>
          %dma_wait3A_277 = arith.constant 0 : i32
          %dma_wait3A_278 = tpu.memref_slice %arg6[%add3A_247, %dma_wait3A_277] : memref<16x125xi32, #tpu.memory_space<vmem>> -> memref<1x125xi32, #tpu.memory_space<vmem>>
          %dma_wait3A_279 = tpu.memref_squeeze %dma_wait3A_278 : memref<1x125xi32, #tpu.memory_space<vmem>> -> memref<125xi32, #tpu.memory_space<vmem>>
          %dma_wait3A_280 = arith.constant 0 : i32
          %dma_wait3A_281 = arith.constant 0 : i32
          %dma_wait3A_282 = tpu.memref_slice %arg8[%dma_wait3A_280, %dma_wait3A_281] : memref<10000x128xf32, #tpu.memory_space<vmem_shared>> -> memref<10000x128xf32, #tpu.memory_space<vmem_shared>>
          tpu.wait_indirect_dma semaphore(%run_scoped3A_262 : memref<!tpu.dma_semaphore, #tpu.memory_space<semaphore_mem>>) src(%dma_wait3A_276 : memref<125x128xf32, #tpu.memory_space<vmem>>) dst(%dma_wait3A_282 : memref<10000x128xf32, #tpu.memory_space<vmem_shared>>)
          tpu.yield
        }) : () -> ()
        %add3A_249 = arith.constant 3 : i32
        %add3A_250 = arith.addi %add3A_207, %add3A_249 : i32
        %dma_start3A_251 = arith.constant 1 : i32
        %dma_start3A_252 = arith.constant 0 : i32
        %dma_start3A_253 = arith.constant 0 : i32
        %dma_start3A_254 = tpu.memref_slice %arg7[%dma_start3A_251, %dma_start3A_252, %dma_start3A_253] : memref<2x125x128xf32, #tpu.memory_space<vmem>> -> memref<1x125x128xf32, #tpu.memory_space<vmem>>
        %dma_start3A_255 = tpu.memref_squeeze %dma_start3A_254 : memref<1x125x128xf32, #tpu.memory_space<vmem>> -> memref<125x128xf32, #tpu.memory_space<vmem>>
        %dma_start3A_256 = arith.constant 0 : i32
        %dma_start3A_257 = tpu.memref_slice %arg5[%add3A_250, %dma_start3A_256] : memref<16x125xi32, #tpu.memory_space<vmem>> -> memref<1x125xi32, #tpu.memory_space<vmem>>
        %dma_start3A_258 = tpu.memref_squeeze %dma_start3A_257 : memref<1x125xi32, #tpu.memory_space<vmem>> -> memref<125xi32, #tpu.memory_space<vmem>>
        %dma_start3A_259 = arith.constant 0 : i32
        %dma_start3A_260 = arith.constant 0 : i32
        %dma_start3A_261 = tpu.memref_slice %arg2[%dma_start3A_259, %dma_start3A_260] : memref<10000x128xf32, #tpu.memory_space<hbm>> -> memref<10000x128xf32, #tpu.memory_space<hbm>>
        tpu.enqueue_indirect_dma source(%dma_start3A_261 : memref<10000x128xf32, #tpu.memory_space<hbm>>) target(%dma_start3A_255 : memref<125x128xf32, #tpu.memory_space<vmem>>) offsets(%dma_start3A_258 : memref<125xi32, #tpu.memory_space<vmem>>) semaphore(%arg10 : memref<!tpu.dma_semaphore, #tpu.memory_space<semaphore_mem>>)
      }
      %scan3A_153 = arith.constant 3 : i32
      %add3A_154 = arith.constant 1 : i32
      %add3A_155 = arith.addi %add3A_140, %add3A_154 : i32
      %lt3A_156 = arith.constant 10 : i32
      %lt3A_157 = arith.cmpi slt, %add3A_155, %lt3A_156 : i32
      %convert_element_type3A_158 = arith.extui %lt3A_157 : i1 to i32
      %cond3A_159 = arith.constant 0 : i32
      %cond3A_160 = arith.cmpi ne, %convert_element_type3A_158, %cond3A_159 : i32
      scf.if %cond3A_160 {
        %add3A_203 = arith.constant 1 : i32
        %add3A_204 = arith.addi %add3A_140, %add3A_203 : i32
        %mul3A_205 = arith.constant 80 : i32
        %mul3A_206 = arith.muli %add3A, %mul3A_205 : i32
        %mul3A_207 = arith.constant 8 : i32
        %mul3A_208 = arith.muli %add3A_204, %mul3A_207 : i32
        %add3A_209 = arith.addi %mul3A_206, %mul3A_208 : i32
        %dma_wait3A_210 = arith.constant 0 : i32
        %dma_wait3A_211 = arith.constant 0 : i32
        %dma_wait3A_212 = arith.constant 0 : i32
        %dma_wait3A_213 = tpu.memref_slice %arg5[%dma_wait3A_211, %dma_wait3A_212] : memref<16x125xi32, #tpu.memory_space<vmem>> -> memref<8x125xi32, #tpu.memory_space<vmem>>
        %dma_wait3A_214 = arith.constant 0 : i32
        %dma_wait3A_215 = tpu.memref_slice %arg3[%dma_wait3A_210, %add3A_209, %dma_wait3A_214] : memref<2x2560x125xi32, #tpu.memory_space<hbm>> -> memref<1x8x125xi32, #tpu.memory_space<hbm>>
        %dma_wait3A_216 = tpu.memref_squeeze %dma_wait3A_215 : memref<1x8x125xi32, #tpu.memory_space<hbm>> -> memref<8x125xi32, #tpu.memory_space<hbm>>
        %dma_wait3A_217 = arith.constant 0 : i32
        %dma_wait3A_218 = arith.constant 0 : i32
        %dma_wait3A_219 = tpu.memref_slice %arg5[%dma_wait3A_217, %dma_wait3A_218] : memref<16x125xi32, #tpu.memory_space<vmem>> -> memref<8x125xi32, #tpu.memory_space<vmem>>
        %dma_wait3A_220 = arith.constant 0 : i32
        %dma_wait3A_221 = tpu.memref_slice %arg3[%dma_wait3A_210, %add3A_209, %dma_wait3A_220] : memref<2x2560x125xi32, #tpu.memory_space<hbm>> -> memref<1x8x125xi32, #tpu.memory_space<hbm>>
        %dma_wait3A_222 = tpu.memref_squeeze %dma_wait3A_221 : memref<1x8x125xi32, #tpu.memory_space<hbm>> -> memref<8x125xi32, #tpu.memory_space<hbm>>
        tpu.wait_dma2 semaphore(%arg11 : memref<!tpu.dma_semaphore, #tpu.memory_space<semaphore_mem>>) src(%dma_wait3A_222 : memref<8x125xi32, #tpu.memory_space<hbm>>) dst(%dma_wait3A_219 : memref<8x125xi32, #tpu.memory_space<vmem>>)
        %dma_wait3A_223 = arith.constant 1 : i32
        %dma_wait3A_224 = arith.constant 0 : i32
        %dma_wait3A_225 = arith.constant 0 : i32
        %dma_wait3A_226 = tpu.memref_slice %arg6[%dma_wait3A_224, %dma_wait3A_225] : memref<16x125xi32, #tpu.memory_space<vmem>> -> memref<8x125xi32, #tpu.memory_space<vmem>>
        %dma_wait3A_227 = arith.constant 0 : i32
        %dma_wait3A_228 = tpu.memref_slice %arg3[%dma_wait3A_223, %add3A_209, %dma_wait3A_227] : memref<2x2560x125xi32, #tpu.memory_space<hbm>> -> memref<1x8x125xi32, #tpu.memory_space<hbm>>
        %dma_wait3A_229 = tpu.memref_squeeze %dma_wait3A_228 : memref<1x8x125xi32, #tpu.memory_space<hbm>> -> memref<8x125xi32, #tpu.memory_space<hbm>>
        %dma_wait3A_230 = arith.constant 0 : i32
        %dma_wait3A_231 = arith.constant 0 : i32
        %dma_wait3A_232 = tpu.memref_slice %arg6[%dma_wait3A_230, %dma_wait3A_231] : memref<16x125xi32, #tpu.memory_space<vmem>> -> memref<8x125xi32, #tpu.memory_space<vmem>>
        %dma_wait3A_233 = arith.constant 0 : i32
        %dma_wait3A_234 = tpu.memref_slice %arg3[%dma_wait3A_223, %add3A_209, %dma_wait3A_233] : memref<2x2560x125xi32, #tpu.memory_space<hbm>> -> memref<1x8x125xi32, #tpu.memory_space<hbm>>
        %dma_wait3A_235 = tpu.memref_squeeze %dma_wait3A_234 : memref<1x8x125xi32, #tpu.memory_space<hbm>> -> memref<8x125xi32, #tpu.memory_space<hbm>>
        tpu.wait_dma2 semaphore(%arg12 : memref<!tpu.dma_semaphore, #tpu.memory_space<semaphore_mem>>) src(%dma_wait3A_235 : memref<8x125xi32, #tpu.memory_space<hbm>>) dst(%dma_wait3A_232 : memref<8x125xi32, #tpu.memory_space<vmem>>)
      } else {
      }
      %dma_wait3A_161 = arith.constant 14 : i32
      %dma_wait3A_162 = arith.constant 0 : i32
      %dma_wait3A_163 = arith.constant 0 : i32
      %dma_wait3A_164 = arith.constant 0 : i32
      %dma_wait3A_165 = tpu.memref_slice %arg7[%dma_wait3A_162, %dma_wait3A_163, %dma_wait3A_164] : memref<2x125x128xf32, #tpu.memory_space<vmem>> -> memref<1x125x128xf32, #tpu.memory_space<vmem>>
      %dma_wait3A_166 = tpu.memref_squeeze %dma_wait3A_165 : memref<1x125x128xf32, #tpu.memory_space<vmem>> -> memref<125x128xf32, #tpu.memory_space<vmem>>
      %dma_wait3A_167 = arith.constant 0 : i32
      %dma_wait3A_168 = tpu.memref_slice %arg5[%dma_wait3A_161, %dma_wait3A_167] : memref<16x125xi32, #tpu.memory_space<vmem>> -> memref<1x125xi32, #tpu.memory_space<vmem>>
      %dma_wait3A_169 = tpu.memref_squeeze %dma_wait3A_168 : memref<1x125xi32, #tpu.memory_space<vmem>> -> memref<125xi32, #tpu.memory_space<vmem>>
      %dma_wait3A_170 = arith.constant 0 : i32
      %dma_wait3A_171 = arith.constant 0 : i32
      %dma_wait3A_172 = tpu.memref_slice %arg2[%dma_wait3A_170, %dma_wait3A_171] : memref<10000x128xf32, #tpu.memory_space<hbm>> -> memref<10000x128xf32, #tpu.memory_space<hbm>>
      tpu.wait_indirect_dma semaphore(%arg9 : memref<!tpu.dma_semaphore, #tpu.memory_space<semaphore_mem>>) src(%dma_wait3A_172 : memref<10000x128xf32, #tpu.memory_space<hbm>>) dst(%dma_wait3A_166 : memref<125x128xf32, #tpu.memory_space<vmem>>)
      %run_scoped3A_173 = arith.constant 0 : i32
      %run_scoped3A_174 = arith.constant 14 : i32
      "tpu.region"() ({
        %run_scoped3A_203 = tpu.sem_alloc : memref<!tpu.dma_semaphore, #tpu.memory_space<semaphore_mem>>
        %dma_start3A_204 = arith.constant 0 : i32
        %dma_start3A_205 = arith.constant 0 : i32
        %dma_start3A_206 = tpu.memref_slice %arg7[%run_scoped3A_173, %dma_start3A_204, %dma_start3A_205] : memref<2x125x128xf32, #tpu.memory_space<vmem>> -> memref<1x125x128xf32, #tpu.memory_space<vmem>>
        %dma_start3A_207 = tpu.memref_squeeze %dma_start3A_206 : memref<1x125x128xf32, #tpu.memory_space<vmem>> -> memref<125x128xf32, #tpu.memory_space<vmem>>
        %dma_start3A_208 = arith.constant 0 : i32
        %dma_start3A_209 = tpu.memref_slice %arg6[%run_scoped3A_174, %dma_start3A_208] : memref<16x125xi32, #tpu.memory_space<vmem>> -> memref<1x125xi32, #tpu.memory_space<vmem>>
        %dma_start3A_210 = tpu.memref_squeeze %dma_start3A_209 : memref<1x125xi32, #tpu.memory_space<vmem>> -> memref<125xi32, #tpu.memory_space<vmem>>
        %dma_start3A_211 = arith.constant 0 : i32
        %dma_start3A_212 = arith.constant 0 : i32
        %dma_start3A_213 = tpu.memref_slice %arg8[%dma_start3A_211, %dma_start3A_212] : memref<10000x128xf32, #tpu.memory_space<vmem_shared>> -> memref<10000x128xf32, #tpu.memory_space<vmem_shared>>
        tpu.enqueue_indirect_dma source(%dma_start3A_207 : memref<125x128xf32, #tpu.memory_space<vmem>>) target(%dma_start3A_213 : memref<10000x128xf32, #tpu.memory_space<vmem_shared>>) offsets(%dma_start3A_210 : memref<125xi32, #tpu.memory_space<vmem>>) semaphore(%run_scoped3A_203 : memref<!tpu.dma_semaphore, #tpu.memory_space<semaphore_mem>>) {add = true}
        %dma_wait3A_214 = arith.constant 0 : i32
        %dma_wait3A_215 = arith.constant 0 : i32
        %dma_wait3A_216 = tpu.memref_slice %arg7[%run_scoped3A_173, %dma_wait3A_214, %dma_wait3A_215] : memref<2x125x128xf32, #tpu.memory_space<vmem>> -> memref<1x125x128xf32, #tpu.memory_space<vmem>>
        %dma_wait3A_217 = tpu.memref_squeeze %dma_wait3A_216 : memref<1x125x128xf32, #tpu.memory_space<vmem>> -> memref<125x128xf32, #tpu.memory_space<vmem>>
        %dma_wait3A_218 = arith.constant 0 : i32
        %dma_wait3A_219 = tpu.memref_slice %arg6[%run_scoped3A_174, %dma_wait3A_218] : memref<16x125xi32, #tpu.memory_space<vmem>> -> memref<1x125xi32, #tpu.memory_space<vmem>>
        %dma_wait3A_220 = tpu.memref_squeeze %dma_wait3A_219 : memref<1x125xi32, #tpu.memory_space<vmem>> -> memref<125xi32, #tpu.memory_space<vmem>>
        %dma_wait3A_221 = arith.constant 0 : i32
        %dma_wait3A_222 = arith.constant 0 : i32
        %dma_wait3A_223 = tpu.memref_slice %arg8[%dma_wait3A_221, %dma_wait3A_222] : memref<10000x128xf32, #tpu.memory_space<vmem_shared>> -> memref<10000x128xf32, #tpu.memory_space<vmem_shared>>
        tpu.wait_indirect_dma semaphore(%run_scoped3A_203 : memref<!tpu.dma_semaphore, #tpu.memory_space<semaphore_mem>>) src(%dma_wait3A_217 : memref<125x128xf32, #tpu.memory_space<vmem>>) dst(%dma_wait3A_223 : memref<10000x128xf32, #tpu.memory_space<vmem_shared>>)
        tpu.yield
      }) : () -> ()
      %add3A_175 = arith.constant 1 : i32
      %add3A_176 = arith.addi %add3A_140, %add3A_175 : i32
      %lt3A_177 = arith.constant 10 : i32
      %lt3A_178 = arith.cmpi slt, %add3A_176, %lt3A_177 : i32
      %convert_element_type3A_179 = arith.extui %lt3A_178 : i1 to i32
      %cond3A_180 = arith.constant 0 : i32
      %cond3A_181 = arith.cmpi ne, %convert_element_type3A_179, %cond3A_180 : i32
      scf.if %cond3A_181 {
        %dma_start3A_203 = arith.constant 0 : i32
        %dma_start3A_204 = arith.constant 0 : i32
        %dma_start3A_205 = arith.constant 0 : i32
        %dma_start3A_206 = arith.constant 0 : i32
        %dma_start3A_207 = tpu.memref_slice %arg7[%dma_start3A_204, %dma_start3A_205, %dma_start3A_206] : memref<2x125x128xf32, #tpu.memory_space<vmem>> -> memref<1x125x128xf32, #tpu.memory_space<vmem>>
        %dma_start3A_208 = tpu.memref_squeeze %dma_start3A_207 : memref<1x125x128xf32, #tpu.memory_space<vmem>> -> memref<125x128xf32, #tpu.memory_space<vmem>>
        %dma_start3A_209 = arith.constant 0 : i32
        %dma_start3A_210 = tpu.memref_slice %arg5[%dma_start3A_203, %dma_start3A_209] : memref<16x125xi32, #tpu.memory_space<vmem>> -> memref<1x125xi32, #tpu.memory_space<vmem>>
        %dma_start3A_211 = tpu.memref_squeeze %dma_start3A_210 : memref<1x125xi32, #tpu.memory_space<vmem>> -> memref<125xi32, #tpu.memory_space<vmem>>
        %dma_start3A_212 = arith.constant 0 : i32
        %dma_start3A_213 = arith.constant 0 : i32
        %dma_start3A_214 = tpu.memref_slice %arg2[%dma_start3A_212, %dma_start3A_213] : memref<10000x128xf32, #tpu.memory_space<hbm>> -> memref<10000x128xf32, #tpu.memory_space<hbm>>
        tpu.enqueue_indirect_dma source(%dma_start3A_214 : memref<10000x128xf32, #tpu.memory_space<hbm>>) target(%dma_start3A_208 : memref<125x128xf32, #tpu.memory_space<vmem>>) offsets(%dma_start3A_211 : memref<125xi32, #tpu.memory_space<vmem>>) semaphore(%arg9 : memref<!tpu.dma_semaphore, #tpu.memory_space<semaphore_mem>>)
      } else {
      }
      %dma_wait3A_182 = arith.constant 15 : i32
      %dma_wait3A_183 = arith.constant 1 : i32
      %dma_wait3A_184 = arith.constant 0 : i32
      %dma_wait3A_185 = arith.constant 0 : i32
      %dma_wait3A_186 = tpu.memref_slice %arg7[%dma_wait3A_183, %dma_wait3A_184, %dma_wait3A_185] : memref<2x125x128xf32, #tpu.memory_space<vmem>> -> memref<1x125x128xf32, #tpu.memory_space<vmem>>
      %dma_wait3A_187 = tpu.memref_squeeze %dma_wait3A_186 : memref<1x125x128xf32, #tpu.memory_space<vmem>> -> memref<125x128xf32, #tpu.memory_space<vmem>>
      %dma_wait3A_188 = arith.constant 0 : i32
      %dma_wait3A_189 = tpu.memref_slice %arg5[%dma_wait3A_182, %dma_wait3A_188] : memref<16x125xi32, #tpu.memory_space<vmem>> -> memref<1x125xi32, #tpu.memory_space<vmem>>
      %dma_wait3A_190 = tpu.memref_squeeze %dma_wait3A_189 : memref<1x125xi32, #tpu.memory_space<vmem>> -> memref<125xi32, #tpu.memory_space<vmem>>
      %dma_wait3A_191 = arith.constant 0 : i32
      %dma_wait3A_192 = arith.constant 0 : i32
      %dma_wait3A_193 = tpu.memref_slice %arg2[%dma_wait3A_191, %dma_wait3A_192] : memref<10000x128xf32, #tpu.memory_space<hbm>> -> memref<10000x128xf32, #tpu.memory_space<hbm>>
      tpu.wait_indirect_dma semaphore(%arg10 : memref<!tpu.dma_semaphore, #tpu.memory_space<semaphore_mem>>) src(%dma_wait3A_193 : memref<10000x128xf32, #tpu.memory_space<hbm>>) dst(%dma_wait3A_187 : memref<125x128xf32, #tpu.memory_space<vmem>>)
      %run_scoped3A_194 = arith.constant 1 : i32
      %run_scoped3A_195 = arith.constant 15 : i32
      "tpu.region"() ({
        %run_scoped3A_203 = tpu.sem_alloc : memref<!tpu.dma_semaphore, #tpu.memory_space<semaphore_mem>>
        %dma_start3A_204 = arith.constant 0 : i32
        %dma_start3A_205 = arith.constant 0 : i32
        %dma_start3A_206 = tpu.memref_slice %arg7[%run_scoped3A_194, %dma_start3A_204, %dma_start3A_205] : memref<2x125x128xf32, #tpu.memory_space<vmem>> -> memref<1x125x128xf32, #tpu.memory_space<vmem>>
        %dma_start3A_207 = tpu.memref_squeeze %dma_start3A_206 : memref<1x125x128xf32, #tpu.memory_space<vmem>> -> memref<125x128xf32, #tpu.memory_space<vmem>>
        %dma_start3A_208 = arith.constant 0 : i32
        %dma_start3A_209 = tpu.memref_slice %arg6[%run_scoped3A_195, %dma_start3A_208] : memref<16x125xi32, #tpu.memory_space<vmem>> -> memref<1x125xi32, #tpu.memory_space<vmem>>
        %dma_start3A_210 = tpu.memref_squeeze %dma_start3A_209 : memref<1x125xi32, #tpu.memory_space<vmem>> -> memref<125xi32, #tpu.memory_space<vmem>>
        %dma_start3A_211 = arith.constant 0 : i32
        %dma_start3A_212 = arith.constant 0 : i32
        %dma_start3A_213 = tpu.memref_slice %arg8[%dma_start3A_211, %dma_start3A_212] : memref<10000x128xf32, #tpu.memory_space<vmem_shared>> -> memref<10000x128xf32, #tpu.memory_space<vmem_shared>>
        tpu.enqueue_indirect_dma source(%dma_start3A_207 : memref<125x128xf32, #tpu.memory_space<vmem>>) target(%dma_start3A_213 : memref<10000x128xf32, #tpu.memory_space<vmem_shared>>) offsets(%dma_start3A_210 : memref<125xi32, #tpu.memory_space<vmem>>) semaphore(%run_scoped3A_203 : memref<!tpu.dma_semaphore, #tpu.memory_space<semaphore_mem>>) {add = true}
        %dma_wait3A_214 = arith.constant 0 : i32
        %dma_wait3A_215 = arith.constant 0 : i32
        %dma_wait3A_216 = tpu.memref_slice %arg7[%run_scoped3A_194, %dma_wait3A_214, %dma_wait3A_215] : memref<2x125x128xf32, #tpu.memory_space<vmem>> -> memref<1x125x128xf32, #tpu.memory_space<vmem>>
        %dma_wait3A_217 = tpu.memref_squeeze %dma_wait3A_216 : memref<1x125x128xf32, #tpu.memory_space<vmem>> -> memref<125x128xf32, #tpu.memory_space<vmem>>
        %dma_wait3A_218 = arith.constant 0 : i32
        %dma_wait3A_219 = tpu.memref_slice %arg6[%run_scoped3A_195, %dma_wait3A_218] : memref<16x125xi32, #tpu.memory_space<vmem>> -> memref<1x125xi32, #tpu.memory_space<vmem>>
        %dma_wait3A_220 = tpu.memref_squeeze %dma_wait3A_219 : memref<1x125xi32, #tpu.memory_space<vmem>> -> memref<125xi32, #tpu.memory_space<vmem>>
        %dma_wait3A_221 = arith.constant 0 : i32
        %dma_wait3A_222 = arith.constant 0 : i32
        %dma_wait3A_223 = tpu.memref_slice %arg8[%dma_wait3A_221, %dma_wait3A_222] : memref<10000x128xf32, #tpu.memory_space<vmem_shared>> -> memref<10000x128xf32, #tpu.memory_space<vmem_shared>>
        tpu.wait_indirect_dma semaphore(%run_scoped3A_203 : memref<!tpu.dma_semaphore, #tpu.memory_space<semaphore_mem>>) src(%dma_wait3A_217 : memref<125x128xf32, #tpu.memory_space<vmem>>) dst(%dma_wait3A_223 : memref<10000x128xf32, #tpu.memory_space<vmem_shared>>)
        tpu.yield
      }) : () -> ()
      %add3A_196 = arith.constant 1 : i32
      %add3A_197 = arith.addi %add3A_140, %add3A_196 : i32
      %lt3A_198 = arith.constant 10 : i32
      %lt3A_199 = arith.cmpi slt, %add3A_197, %lt3A_198 : i32
      %convert_element_type3A_200 = arith.extui %lt3A_199 : i1 to i32
      %cond3A_201 = arith.constant 0 : i32
      %cond3A_202 = arith.cmpi ne, %convert_element_type3A_200, %cond3A_201 : i32
      scf.if %cond3A_202 {
        %dma_start3A_203 = arith.constant 1 : i32
        %dma_start3A_204 = arith.constant 1 : i32
        %dma_start3A_205 = arith.constant 0 : i32
        %dma_start3A_206 = arith.constant 0 : i32
        %dma_start3A_207 = tpu.memref_slice %arg7[%dma_start3A_204, %dma_start3A_205, %dma_start3A_206] : memref<2x125x128xf32, #tpu.memory_space<vmem>> -> memref<1x125x128xf32, #tpu.memory_space<vmem>>
        %dma_start3A_208 = tpu.memref_squeeze %dma_start3A_207 : memref<1x125x128xf32, #tpu.memory_space<vmem>> -> memref<125x128xf32, #tpu.memory_space<vmem>>
        %dma_start3A_209 = arith.constant 0 : i32
        %dma_start3A_210 = tpu.memref_slice %arg5[%dma_start3A_203, %dma_start3A_209] : memref<16x125xi32, #tpu.memory_space<vmem>> -> memref<1x125xi32, #tpu.memory_space<vmem>>
        %dma_start3A_211 = tpu.memref_squeeze %dma_start3A_210 : memref<1x125xi32, #tpu.memory_space<vmem>> -> memref<125xi32, #tpu.memory_space<vmem>>
        %dma_start3A_212 = arith.constant 0 : i32
        %dma_start3A_213 = arith.constant 0 : i32
        %dma_start3A_214 = tpu.memref_slice %arg2[%dma_start3A_212, %dma_start3A_213] : memref<10000x128xf32, #tpu.memory_space<hbm>> -> memref<10000x128xf32, #tpu.memory_space<hbm>>
        tpu.enqueue_indirect_dma source(%dma_start3A_214 : memref<10000x128xf32, #tpu.memory_space<hbm>>) target(%dma_start3A_208 : memref<125x128xf32, #tpu.memory_space<vmem>>) offsets(%dma_start3A_211 : memref<125xi32, #tpu.memory_space<vmem>>) semaphore(%arg10 : memref<!tpu.dma_semaphore, #tpu.memory_space<semaphore_mem>>)
      } else {
      }
    }
    %scan3A_64 = arith.constant 5 : i32
    %barrier3A_65 = arith.constant 0 : index
    tpu.barrier barrier_id(%barrier3A_65)
    %ne3A = arith.constant 15 : i32
    %ne3A_66 = arith.cmpi ne, %arg1, %ne3A : i32
    %convert_element_type3A = arith.extui %ne3A_66 : i1 to i32
    %cond3A = arith.constant 0 : i32
    %cond3A_67 = arith.cmpi ne, %convert_element_type3A, %cond3A : i32
    scf.if %cond3A_67 {
      %mul3A_72 = arith.constant 624 : i32
      %mul3A_73 = arith.muli %arg1, %mul3A_72 : i32
      %mul3A_74 = arith.constant 624 : i32
      %mul3A_75 = arith.muli %arg1, %mul3A_74 : i32
      "tpu.region"() ({
        %run_scoped3A_76 = tpu.sem_alloc : memref<!tpu.dma_semaphore, #tpu.memory_space<semaphore_mem>>
        %dma_start3A_77 = arith.constant 0 : i32
        %dma_start3A_78 = tpu.memref_slice %arg4[%arg0, %mul3A_75, %dma_start3A_77] : memref<2x10000x128xf32, #tpu.memory_space<hbm>> -> memref<1x624x128xf32, #tpu.memory_space<hbm>>
        %dma_start3A_79 = tpu.memref_squeeze %dma_start3A_78 : memref<1x624x128xf32, #tpu.memory_space<hbm>> -> memref<624x128xf32, #tpu.memory_space<hbm>>
        %dma_start3A_80 = arith.constant 0 : i32
        %dma_start3A_81 = tpu.memref_slice %arg8[%mul3A_73, %dma_start3A_80] : memref<10000x128xf32, #tpu.memory_space<vmem_shared>> -> memref<624x128xf32, #tpu.memory_space<vmem_shared>>
        tpu.enqueue_dma source(%dma_start3A_81 : memref<624x128xf32, #tpu.memory_space<vmem_shared>>) target(%dma_start3A_79 : memref<624x128xf32, #tpu.memory_space<hbm>>) target_semaphore(%run_scoped3A_76 : memref<!tpu.dma_semaphore, #tpu.memory_space<semaphore_mem>>)
        %dma_wait3A = arith.constant 0 : i32
        %dma_wait3A_82 = tpu.memref_slice %arg4[%arg0, %mul3A_75, %dma_wait3A] : memref<2x10000x128xf32, #tpu.memory_space<hbm>> -> memref<1x624x128xf32, #tpu.memory_space<hbm>>
        %dma_wait3A_83 = tpu.memref_squeeze %dma_wait3A_82 : memref<1x624x128xf32, #tpu.memory_space<hbm>> -> memref<624x128xf32, #tpu.memory_space<hbm>>
        %dma_wait3A_84 = arith.constant 0 : i32
        %dma_wait3A_85 = tpu.memref_slice %arg8[%mul3A_73, %dma_wait3A_84] : memref<10000x128xf32, #tpu.memory_space<vmem_shared>> -> memref<624x128xf32, #tpu.memory_space<vmem_shared>>
        tpu.wait_dma2 semaphore(%run_scoped3A_76 : memref<!tpu.dma_semaphore, #tpu.memory_space<semaphore_mem>>) src(%dma_wait3A_85 : memref<624x128xf32, #tpu.memory_space<vmem_shared>>) dst(%dma_wait3A_83 : memref<624x128xf32, #tpu.memory_space<hbm>>)
        tpu.yield
      }) : () -> ()
    } else {
    }
    %eq3A = arith.constant 15 : i32
    %eq3A_68 = arith.cmpi eq, %arg1, %eq3A : i32
    %convert_element_type3A_69 = arith.extui %eq3A_68 : i1 to i32
    %cond3A_70 = arith.constant 0 : i32
    %cond3A_71 = arith.cmpi ne, %convert_element_type3A_69, %cond3A_70 : i32
    scf.if %cond3A_71 {
      "tpu.region"() ({
        %run_scoped3A_72 = tpu.sem_alloc : memref<!tpu.dma_semaphore, #tpu.memory_space<semaphore_mem>>
        %dma_start3A_73 = arith.constant 9360 : i32
        %dma_start3A_74 = arith.constant 0 : i32
        %dma_start3A_75 = tpu.memref_slice %arg4[%arg0, %dma_start3A_73, %dma_start3A_74] : memref<2x10000x128xf32, #tpu.memory_space<hbm>> -> memref<1x640x128xf32, #tpu.memory_space<hbm>>
        %dma_start3A_76 = tpu.memref_squeeze %dma_start3A_75 : memref<1x640x128xf32, #tpu.memory_space<hbm>> -> memref<640x128xf32, #tpu.memory_space<hbm>>
        %dma_start3A_77 = arith.constant 9360 : i32
        %dma_start3A_78 = arith.constant 0 : i32
        %dma_start3A_79 = tpu.memref_slice %arg8[%dma_start3A_77, %dma_start3A_78] : memref<10000x128xf32, #tpu.memory_space<vmem_shared>> -> memref<640x128xf32, #tpu.memory_space<vmem_shared>>
        tpu.enqueue_dma source(%dma_start3A_79 : memref<640x128xf32, #tpu.memory_space<vmem_shared>>) target(%dma_start3A_76 : memref<640x128xf32, #tpu.memory_space<hbm>>) target_semaphore(%run_scoped3A_72 : memref<!tpu.dma_semaphore, #tpu.memory_space<semaphore_mem>>)
        %dma_wait3A = arith.constant 9360 : i32
        %dma_wait3A_80 = arith.constant 0 : i32
        %dma_wait3A_81 = tpu.memref_slice %arg4[%arg0, %dma_wait3A, %dma_wait3A_80] : memref<2x10000x128xf32, #tpu.memory_space<hbm>> -> memref<1x640x128xf32, #tpu.memory_space<hbm>>
        %dma_wait3A_82 = tpu.memref_squeeze %dma_wait3A_81 : memref<1x640x128xf32, #tpu.memory_space<hbm>> -> memref<640x128xf32, #tpu.memory_space<hbm>>
        %dma_wait3A_83 = arith.constant 9360 : i32
        %dma_wait3A_84 = arith.constant 0 : i32
        %dma_wait3A_85 = tpu.memref_slice %arg8[%dma_wait3A_83, %dma_wait3A_84] : memref<10000x128xf32, #tpu.memory_space<vmem_shared>> -> memref<640x128xf32, #tpu.memory_space<vmem_shared>>
        tpu.wait_dma2 semaphore(%run_scoped3A_72 : memref<!tpu.dma_semaphore, #tpu.memory_space<semaphore_mem>>) src(%dma_wait3A_85 : memref<640x128xf32, #tpu.memory_space<vmem_shared>>) dst(%dma_wait3A_82 : memref<640x128xf32, #tpu.memory_space<hbm>>)
        tpu.yield
      }) : () -> ()
    } else {
    }
    return
  }
}

module attributes {stable_mosaic.version = 14 : i64} {
  func.func @body(%arg0: i32, %arg1: memref<2x2000x128xf32, #tpu.memory_space<vmem>>, %arg2: memref<2000x128xf32, #tpu.memory_space<vmem>>, %arg3: memref<128x128xf32, #tpu.memory_space<vmem>>, %arg4: memref<128x128xf32, #tpu.memory_space<vmem>>, %arg5: memref<1x128xf32, #tpu.memory_space<vmem>>, %arg6: memref<128x128xf32, #tpu.memory_space<vmem>>, %arg7: memref<1x128xf32, #tpu.memory_space<vmem>>, %arg8: memref<128x128xf32, #tpu.memory_space<vmem>>, %arg9: memref<1x128xf32, #tpu.memory_space<vmem>>, %arg10: memref<1x128xf32, #tpu.memory_space<vmem>>, %arg11: memref<1x1xf32, #tpu.memory_space<vmem>>, %arg12: memref<1x1x2000xf32, #tpu.memory_space<vmem>>) attributes {dimension_semantics = [#tpu.dimension_semantics<arbitrary>], iteration_bounds = array<i64: 5>, scalar_prefetch = 0 : i64, scratch_operands = 0 : i64, tpu.core_type = #tpu.core_type<tc>, window_params = [{transform_indices = @transform_0, window_bounds = array<i64: 2, 2000, 128>}, {transform_indices = @transform_1, window_bounds = array<i64: 2000, 128>}, {pipeline_mode = #tpu.pipeline_mode<synchronous>, transform_indices = @transform_2, window_bounds = array<i64: 128, 128>}, {pipeline_mode = #tpu.pipeline_mode<synchronous>, transform_indices = @transform_3, window_bounds = array<i64: 128, 128>}, {pipeline_mode = #tpu.pipeline_mode<synchronous>, transform_indices = @transform_4, window_bounds = array<i64: 1, 128>}, {pipeline_mode = #tpu.pipeline_mode<synchronous>, transform_indices = @transform_5, window_bounds = array<i64: 128, 128>}, {pipeline_mode = #tpu.pipeline_mode<synchronous>, transform_indices = @transform_6, window_bounds = array<i64: 1, 128>}, {pipeline_mode = #tpu.pipeline_mode<synchronous>, transform_indices = @transform_7, window_bounds = array<i64: 128, 128>}, {pipeline_mode = #tpu.pipeline_mode<synchronous>, transform_indices = @transform_8, window_bounds = array<i64: 1, 128>}, {pipeline_mode = #tpu.pipeline_mode<synchronous>, transform_indices = @transform_9, window_bounds = array<i64: 1, 128>}, {pipeline_mode = #tpu.pipeline_mode<synchronous>, transform_indices = @transform_10, window_bounds = array<i64: 1, 1>}, {transform_indices = @transform_11, window_bounds = array<i64: 1, 1, 2000>}]} {
    %get3A = arith.constant 0 : index
    %get3A_0 = arith.constant 0 : index
    %get3A_1 = arith.constant 0 : index
    %get3A_2 = vector.load %arg1[%get3A, %get3A_0, %get3A_1] : memref<2x2000x128xf32, #tpu.memory_space<vmem>>, vector<1x2000x128xf32>
    %get3A_3 = vector.shape_cast %get3A_2 : vector<1x2000x128xf32> to vector<2000x128xf32>
    %get3A_4 = arith.constant 1 : index
    %get3A_5 = arith.constant 0 : index
    %get3A_6 = arith.constant 0 : index
    %get3A_7 = vector.load %arg1[%get3A_4, %get3A_5, %get3A_6] : memref<2x2000x128xf32, #tpu.memory_space<vmem>>, vector<1x2000x128xf32>
    %get3A_8 = vector.shape_cast %get3A_7 : vector<1x2000x128xf32> to vector<2000x128xf32>
    %add3A = arith.addf %get3A_3, %get3A_8 : vector<2000x128xf32>
    %get3A_9 = arith.constant 0 : index
    %get3A_10 = arith.constant 0 : index
    %get3A_11 = vector.load %arg3[%get3A_9, %get3A_10] : memref<128x128xf32, #tpu.memory_space<vmem>>, vector<128x128xf32>
    %dot_general3A = arith.constant dense<0.000000e+00> : vector<2000x128xf32>
    %dot_general3A_12 = tpu.matmul %add3A, %get3A_11, %dot_general3A {dimension_numbers = #tpu.dot_dimension_numbers<[1], [0], [0], [1], [0, 0, 1, 1], [], []>, transpose_lhs_hint = false} : vector<2000x128xf32>, vector<128x128xf32>, vector<2000x128xf32> -> vector<2000x128xf32>
    %get3A_13 = arith.constant 0 : index
    %get3A_14 = arith.constant 0 : index
    %get3A_15 = vector.load %arg2[%get3A_13, %get3A_14] : memref<2000x128xf32, #tpu.memory_space<vmem>>, vector<2000x128xf32>
    %get3A_16 = arith.constant 0 : index
    %get3A_17 = arith.constant 0 : index
    %get3A_18 = vector.load %arg4[%get3A_16, %get3A_17] : memref<128x128xf32, #tpu.memory_space<vmem>>, vector<128x128xf32>
    %dot_general3A_19 = arith.constant dense<0.000000e+00> : vector<2000x128xf32>
    %dot_general3A_20 = tpu.matmul %get3A_15, %get3A_18, %dot_general3A_19 {dimension_numbers = #tpu.dot_dimension_numbers<[1], [0], [0], [1], [0, 0, 1, 1], [], []>, transpose_lhs_hint = false} : vector<2000x128xf32>, vector<128x128xf32>, vector<2000x128xf32> -> vector<2000x128xf32>
    %add3A_21 = arith.addf %dot_general3A_12, %dot_general3A_20 : vector<2000x128xf32>
    %get3A_22 = arith.constant 0 : index
    %get3A_23 = arith.constant 0 : index
    %get3A_24 = vector.load %arg5[%get3A_22, %get3A_23] : memref<1x128xf32, #tpu.memory_space<vmem>>, vector<1x128xf32>
    %add3A_25 = vector.broadcast %get3A_24 : vector<1x128xf32> to vector<2000x128xf32>
    %add3A_26 = arith.addf %add3A_21, %add3A_25 : vector<2000x128xf32>
    %max3A = arith.constant 0.000000e+00 : f32
    %max3A_27 = vector.broadcast %max3A : f32 to vector<2000x128xf32>
    %max3A_28 = arith.maximumf %add3A_26, %max3A_27 : vector<2000x128xf32>
    %get3A_29 = arith.constant 0 : index
    %get3A_30 = arith.constant 0 : index
    %get3A_31 = vector.load %arg6[%get3A_29, %get3A_30] : memref<128x128xf32, #tpu.memory_space<vmem>>, vector<128x128xf32>
    %dot_general3A_32 = arith.constant dense<0.000000e+00> : vector<2000x128xf32>
    %dot_general3A_33 = tpu.matmul %max3A_28, %get3A_31, %dot_general3A_32 {dimension_numbers = #tpu.dot_dimension_numbers<[1], [0], [0], [1], [0, 0, 1, 1], [], []>, transpose_lhs_hint = false} : vector<2000x128xf32>, vector<128x128xf32>, vector<2000x128xf32> -> vector<2000x128xf32>
    %get3A_34 = arith.constant 0 : index
    %get3A_35 = arith.constant 0 : index
    %get3A_36 = vector.load %arg7[%get3A_34, %get3A_35] : memref<1x128xf32, #tpu.memory_space<vmem>>, vector<1x128xf32>
    %add3A_37 = vector.broadcast %get3A_36 : vector<1x128xf32> to vector<2000x128xf32>
    %add3A_38 = arith.addf %dot_general3A_33, %add3A_37 : vector<2000x128xf32>
    %max3A_39 = arith.constant 0.000000e+00 : f32
    %max3A_40 = vector.broadcast %max3A_39 : f32 to vector<2000x128xf32>
    %max3A_41 = arith.maximumf %add3A_38, %max3A_40 : vector<2000x128xf32>
    %get3A_42 = arith.constant 0 : index
    %get3A_43 = arith.constant 0 : index
    %get3A_44 = vector.load %arg8[%get3A_42, %get3A_43] : memref<128x128xf32, #tpu.memory_space<vmem>>, vector<128x128xf32>
    %dot_general3A_45 = arith.constant dense<0.000000e+00> : vector<2000x128xf32>
    %dot_general3A_46 = tpu.matmul %max3A_41, %get3A_44, %dot_general3A_45 {dimension_numbers = #tpu.dot_dimension_numbers<[1], [0], [0], [1], [0, 0, 1, 1], [], []>, transpose_lhs_hint = false} : vector<2000x128xf32>, vector<128x128xf32>, vector<2000x128xf32> -> vector<2000x128xf32>
    %get3A_47 = arith.constant 0 : index
    %get3A_48 = arith.constant 0 : index
    %get3A_49 = vector.load %arg9[%get3A_47, %get3A_48] : memref<1x128xf32, #tpu.memory_space<vmem>>, vector<1x128xf32>
    %add3A_50 = vector.broadcast %get3A_49 : vector<1x128xf32> to vector<2000x128xf32>
    %add3A_51 = arith.addf %dot_general3A_46, %add3A_50 : vector<2000x128xf32>
    %max3A_52 = arith.constant 0.000000e+00 : f32
    %max3A_53 = vector.broadcast %max3A_52 : f32 to vector<2000x128xf32>
    %max3A_54 = arith.maximumf %add3A_51, %max3A_53 : vector<2000x128xf32>
    %get3A_55 = arith.constant 0 : index
    %get3A_56 = arith.constant 0 : index
    %get3A_57 = vector.load %arg10[%get3A_55, %get3A_56] : memref<1x128xf32, #tpu.memory_space<vmem>>, vector<1x128xf32>
    %dot_general3A_58 = arith.constant dense<0.000000e+00> : vector<1x2000xf32>
    %dot_general3A_59 = tpu.matmul %get3A_57, %max3A_54, %dot_general3A_58 {dimension_numbers = #tpu.dot_dimension_numbers<[1], [1], [0], [0], [0, 0, 1, 0], [], []>, transpose_lhs_hint = false} : vector<1x128xf32>, vector<2000x128xf32>, vector<1x2000xf32> -> vector<1x2000xf32>
    %get3A_60 = arith.constant 0 : index
    %get3A_61 = arith.constant 0 : index
    %get3A_62 = vector.load %arg11[%get3A_60, %get3A_61] : memref<1x1xf32, #tpu.memory_space<vmem>>, vector<1x1xf32>
    %add3A_63 = vector.broadcast %get3A_62 : vector<1x1xf32> to vector<1x2000xf32>
    %add3A_64 = arith.addf %dot_general3A_59, %add3A_63 : vector<1x2000xf32>
    %max3A_65 = arith.constant 0.000000e+00 : f32
    %max3A_66 = vector.broadcast %max3A_65 : f32 to vector<1x2000xf32>
    %max3A_67 = arith.maximumf %add3A_64, %max3A_66 : vector<1x2000xf32>
    %logistic3A = arith.negf %max3A_67 : vector<1x2000xf32>
    %logistic3A_68 = math.exp %logistic3A : vector<1x2000xf32>
    %logistic3A_69 = arith.constant 1.000000e+00 : f32
    %logistic3A_70 = vector.broadcast %logistic3A_69 : f32 to vector<1x2000xf32>
    %logistic3A_71 = arith.addf %logistic3A_70, %logistic3A_68 : vector<1x2000xf32>
    %logistic3A_72 = arith.divf %logistic3A_70, %logistic3A_71 : vector<1x2000xf32>
    %reshape3A = vector.shape_cast %logistic3A_72 : vector<1x2000xf32> to vector<1x1x2000xf32>
    %swap3A = arith.constant 0 : index
    %swap3A_73 = arith.constant 0 : index
    %swap3A_74 = arith.constant 0 : index
    %swap3A_75 = vector.load %arg12[%swap3A, %swap3A_73, %swap3A_74] : memref<1x1x2000xf32, #tpu.memory_space<vmem>>, vector<1x1x2000xf32>
    tpu.vector_store %arg12[%swap3A, %swap3A_73, %swap3A_74], %reshape3A {strides = array<i32>} : memref<1x1x2000xf32, #tpu.memory_space<vmem>>, vector<1x1x2000xf32>,
    return
  }
  func.func @transform_0(%arg0: i32) -> (i32, i32, i32) {
    %c0_i32 = arith.constant 0 : i32
    %c0_i32_0 = arith.constant 0 : i32
    %c0_i32_1 = arith.constant 0 : i32
    return %c0_i32, %arg0, %c0_i32_0 : i32, i32, i32
  }
  func.func @transform_1(%arg0: i32) -> (i32, i32) {
    %c0_i32 = arith.constant 0 : i32
    %c0_i32_0 = arith.constant 0 : i32
    return %arg0, %c0_i32 : i32, i32
  }
  func.func @transform_2(%arg0: i32) -> (i32, i32) {
    %c0_i32 = arith.constant 0 : i32
    %c0_i32_0 = arith.constant 0 : i32
    %c0_i32_1 = arith.constant 0 : i32
    return %c0_i32, %c0_i32_0 : i32, i32
  }
  func.func @transform_3(%arg0: i32) -> (i32, i32) {
    %c0_i32 = arith.constant 0 : i32
    %c0_i32_0 = arith.constant 0 : i32
    %c0_i32_1 = arith.constant 0 : i32
    return %c0_i32, %c0_i32_0 : i32, i32
  }
  func.func @transform_4(%arg0: i32) -> (i32, i32) {
    %c0_i32 = arith.constant 0 : i32
    %c0_i32_0 = arith.constant 0 : i32
    %c0_i32_1 = arith.constant 0 : i32
    return %c0_i32, %c0_i32_0 : i32, i32
  }
  func.func @transform_5(%arg0: i32) -> (i32, i32) {
    %c0_i32 = arith.constant 0 : i32
    %c0_i32_0 = arith.constant 0 : i32
    %c0_i32_1 = arith.constant 0 : i32
    return %c0_i32, %c0_i32_0 : i32, i32
  }
  func.func @transform_6(%arg0: i32) -> (i32, i32) {
    %c0_i32 = arith.constant 0 : i32
    %c0_i32_0 = arith.constant 0 : i32
    %c0_i32_1 = arith.constant 0 : i32
    return %c0_i32, %c0_i32_0 : i32, i32
  }
  func.func @transform_7(%arg0: i32) -> (i32, i32) {
    %c0_i32 = arith.constant 0 : i32
    %c0_i32_0 = arith.constant 0 : i32
    %c0_i32_1 = arith.constant 0 : i32
    return %c0_i32, %c0_i32_0 : i32, i32
  }
  func.func @transform_8(%arg0: i32) -> (i32, i32) {
    %c0_i32 = arith.constant 0 : i32
    %c0_i32_0 = arith.constant 0 : i32
    %c0_i32_1 = arith.constant 0 : i32
    return %c0_i32, %c0_i32_0 : i32, i32
  }
  func.func @transform_9(%arg0: i32) -> (i32, i32) {
    %c0_i32 = arith.constant 0 : i32
    %c0_i32_0 = arith.constant 0 : i32
    %c0_i32_1 = arith.constant 0 : i32
    return %c0_i32, %c0_i32_0 : i32, i32
  }
  func.func @transform_10(%arg0: i32) -> (i32, i32) {
    %c0_i32 = arith.constant 0 : i32
    %c0_i32_0 = arith.constant 0 : i32
    %c0_i32_1 = arith.constant 0 : i32
    return %c0_i32, %c0_i32_0 : i32, i32
  }
  func.func @transform_11(%arg0: i32) -> (i32, i32, i32) {
    %c0_i32 = arith.constant 0 : i32
    %c0_i32_0 = arith.constant 0 : i32
    %c0_i32_1 = arith.constant 0 : i32
    return %arg0, %c0_i32, %c0_i32_0 : i32, i32, i32
  }
}

</mosaic_0001>

<sc_bundles>
// kernel: kernel.4.cloned.1.call-start
scs
__scs_entry_jumppad:
0x0: {  	(pc) =	sbr.rel $0x88, $3  }
0x1: {  	(tag) =	ssettag $0x0;
	lr =	simm.s32 $0x1  }
0x2: {  	[smem:$0x3F96] =	sst lr;
	_ =	strace $0xD0000000  }
0x3: {  	_ = 	snop  }
0x4: {  	_ = 	snop  }
0x5: {  	_ = 	snop  }
0x6: {  	_ = 	snop  }
0x7: {  	_ = 	snop  }
__scs_overlays_trampoline_lowered:
0x8: {  	[smem:$0x3FA5] =	sst s0  }
0x9: {  	[smem:$0x3FA6] =	sst s1  }
0xa: {  	[smem:$0x3FA7] =	sst s2  }
0xb: {  	[smem:$0x3FA8] =	sst s3  }
0xc: {  	[smem:$0x3FA9] =	sst s4  }
0xd: {  	[smem:$0x3FAA] =	sst s5  }
0xe: {  	[smem:$0x3FAB] =	sst s6  }
0xf: {  	[smem:$0x3FAC] =	sst s7  }
0x10: {  	[smem:$0x3FAD] =	sst s8  }
0x11: {  	[smem:$0x3FAE] =	sst s9;
	s0 =	simm.s32 @!p0 $0x0  }
0x12: {  	s1 =	sld [smem:$0x3F94];
	s0 =	simm.s32 @p0 $0x1  }
0x13: {  	[smem:$0x3FAF] =	sst s0;
	s0 =	simm.s32 @!p1 $0x0  }
0x14: {  	s2 =	sld [smem:$0x3F93];
	s0 =	simm.s32 @p1 $0x1  }
0x15: {  	[smem:$0x3FB0] =	sst s0;
	s0 =	simm.s32 @!p2 $0x0  }
0x16: {  	s3 =	sld [smem:$0x3FDB];
	s0 =	simm.s32 @p2 $0x1  }
0x17: {  	s4 =	simm.s32 $0x1BF5;
	[smem:$0x3FB2] =	sst s0  }
0x18: {  	s0 =	sld [smem:$0x3F95];
	_ =	swait.ge [sflag:s4], $0x0  }
0x19: {  	s7 =	sld [smem:$0x3F96]  }
0x1a: {  	s8 =	sadd.s32 $0xFFFFE003, lr  }
0x1b: {  	s9 =	sadd.s32 $0xFFFFFEF7, lr;
	s5 =	simm.s32 $0xFFFFFFFF;
	p2 =	slt.u32 s8, $0xFFFFF086  }
0x1c: {  	p1 =	slt.u32 s9, $0xF7A;
	s5 =	simm.s32 @!p2 $0x0  }
0x1d: {  	s5 =	simm.s32 @p1 $0x1;
	p0 =	seq.s32 s7, s2  }
0x1e: {  	s7 =	smul.u32 @!p0 $0xF7A, s2;
	p2 =	seq.s32 @!p0 s5, $0x0  }
0x1f: {  	s9 =	smul.u32 $0xF7A, s1;
	s8 =	simm.s32 @!p0 $0x1BF5;
	p2 =	por !p2, p0  }
0x20: {  	[sflag:s8] =	ssyncset.s32 @!p0 $0xFFFFF086;
	s6 =	sadd.s32 @!p0 s3, s7;
	s7 =	simm.s32 @!p0 $0x108  }
0x21: {  	s3 =	sadd.s32 s3, s9;
	s6 =	sadd.s32 @!p0 $0x88, s6;
	s7 =	simm.s32 @p2 $0x1082  }
0x22: {  	[simem:s7], [sflag:s8] =	dma.local @!p0 [hbm:s6], $0xF7A  }
0x23: {  	s9 =	sor.u32 $0xD0000000, s2;
	s6 =	simm.s32 $0x108;
	_ =	swait.ge @!p0 [sflag:s8], $0x0  }
0x24: {  	s3 =	sadd.s32 $0x88, s3;
	s6 =	simm.s32 @!p1 $0x1082;
	[sflag:s4] =	ssyncset.s32 $0xFFFFF086  }
0x25: {  	[simem:s6], [sflag:s4] =	dma.local [hbm:s3], $0xF7A  }
0x26: {  	[smem:$0x3F96] =	sst s1;
	(tag) =	ssettag s2;
	_ =	strace s9  }
0x27: {  	s1 =	sld [smem:$0x3FA6]  }
0x28: {  	s2 =	sld [smem:$0x3FA7]  }
0x29: {  	s4 =	sld [smem:$0x3FA9]  }
0x2a: {  	p0 =	seq.s32 s5, $0x0;
	s5 =	sld [smem:$0x3FAA]  }
0x2b: {  	s6 =	sld [smem:$0x3FAB]  }
0x2c: {  	s7 =	sld [smem:$0x3FAC]  }
0x2d: {  	s3 =	simm.s32 $0x108;
	s8 =	sld [smem:$0x3FAD]  }
0x2e: {  	s3 =	simm.s32 @!p0 $0x1082;
	s9 =	sld [smem:$0x3FAE]  }
0x2f: {  	lr =	sadd.s32 s0, s3;
	s0 =	sld [smem:$0x3FA5]  }
0x30: {  	s3 =	sld [smem:$0x3FA8]  }
0x31: {  	[smem:$0x3FB1] =	sst s10  }
0x32: {  	s10 =	sld [smem:$0x3FAF];
	_ =	sdelay $0x3  }
0x33: {  	p0 =	seq.s32 s10, $0x1;
	s10 =	sld [smem:$0x3FB1];
	_ =	sdelay $0x3  }
0x34: {  	[smem:$0x3FB1] =	sst s10  }
0x35: {  	s10 =	sld [smem:$0x3FB0];
	_ =	sdelay $0x3  }
0x36: {  	p1 =	seq.s32 s10, $0x1;
	s10 =	sld [smem:$0x3FB1];
	_ =	sdelay $0x3  }
0x37: {  	[smem:$0x3FB1] =	sst s10  }
0x38: {  	s10 =	sld [smem:$0x3FB2]  }
0x39: {  	_ = 	snop;
	(pc) =	sbr.ind lr, $3  }
0x3a: {  	_ = 	snop  }
0x3b: {  	_ = 	snop  }
0x3c: {  	p2 =	seq.s32 s10, $0x1;
	s10 =	sld [smem:$0x3FB1]  }
0x3d: {  	_ =	shalt  }
0x3e: {  	_ =	shalt  }
0x3f: {  	_ =	shalt  }
0x40: {  	_ =	shalt  }
0x41: {  	_ =	shalt  }
0x42: {  	_ =	shalt  }
0x43: {  	_ =	shalt  }
0x44: {  	_ =	shalt  }
0x45: {  	_ =	shalt  }
0x46: {  	_ =	shalt  }
0x47: {  	_ =	shalt  }
0x48: {  	_ =	shalt  }
0x49: {  	_ =	shalt  }
0x4a: {  	_ =	shalt  }
0x4b: {  	_ =	shalt  }
0x4c: {  	_ =	shalt  }
0x4d: {  	_ =	shalt  }
0x4e: {  	_ =	shalt  }
0x4f: {  	_ =	shalt  }
0x50: {  	_ =	shalt  }
0x51: {  	_ =	shalt  }
0x52: {  	_ =	shalt  }
0x53: {  	_ =	shalt  }
0x54: {  	_ =	shalt  }
0x55: {  	_ =	shalt  }
0x56: {  	_ =	shalt  }
0x57: {  	_ =	shalt  }
0x58: {  	_ =	shalt  }
0x59: {  	_ =	shalt  }
0x5a: {  	_ =	shalt  }
0x5b: {  	_ =	shalt  }
0x5c: {  	_ =	shalt  }
0x5d: {  	_ =	shalt  }
0x5e: {  	_ =	shalt  }
0x5f: {  	_ =	shalt  }
0x60: {  	_ =	shalt  }
0x61: {  	_ =	shalt  }
0x62: {  	_ =	shalt  }
0x63: {  	_ =	shalt  }
0x64: {  	_ =	shalt  }
0x65: {  	_ =	shalt  }
0x66: {  	_ =	shalt  }
0x67: {  	_ =	shalt  }
0x68: {  	_ =	shalt  }
0x69: {  	_ =	shalt  }
0x6a: {  	_ =	shalt  }
0x6b: {  	_ =	shalt  }
0x6c: {  	_ =	shalt  }
0x6d: {  	_ =	shalt  }
0x6e: {  	_ =	shalt  }
0x6f: {  	_ =	shalt  }
0x70: {  	_ =	shalt  }
0x71: {  	_ =	shalt  }
0x72: {  	_ =	shalt  }
0x73: {  	_ =	shalt  }
0x74: {  	_ =	shalt  }
0x75: {  	_ =	shalt  }
0x76: {  	_ =	shalt  }
0x77: {  	_ =	shalt  }
0x78: {  	_ =	shalt  }
0x79: {  	_ =	shalt  }
0x7a: {  	_ =	shalt  }
0x7b: {  	_ =	shalt  }
0x7c: {  	_ =	shalt  }
0x7d: {  	_ =	shalt  }
0x7e: {  	_ =	shalt  }
0x7f: {  	_ =	shalt  }
0x80: {  	_ =	shalt  }
0x81: {  	_ =	shalt  }
0x82: {  	_ =	shalt  }
0x83: {  	_ =	shalt  }
0x84: {  	_ =	shalt  }
0x85: {  	_ =	shalt  }
0x86: {  	_ =	shalt  }
0x87: {  	_ =	shalt  }
.Lfunc_end0:
.L_simem_size_0:
called_computation_lowered:
.L_overlay_start_0:
0x88: {  	s2 =	sld [smem:$0x3FD9]  }
0x89: {  	s3 =	sld [smem:$0x3FFE];
	_ =	sdelay $0x1  }
0x8a: {  	s1 =	srdreg.scid  }
0x8b: {  	s0 =	sand.u32 $0x1, s1  }
0x8c: {  	s17 =	sshll.u32 s0, $0xA;
	s2 =	sadd.s32 s3, s2  }
0x8d: {  	s2 =	sadd.s32 s2, s17  }
0x8e: {  	[smem:$0x3FBD] =	sst s2  }
0x8f: {  	_ = 	snop  }
0x90: {  	s2 =	sld [smem:$0x3FC9];
	(tm) =	ssettm $0x1  }
0x91: {  	s18 =	sld [smem:$0x3FFB];
	_ =	sdelay $0x3  }
0x92: {  	_ =	strace s18  }
0x93: {  	s3 =	sld [smem:$0x3FFC];
	_ =	sdelay $0x3  }
0x94: {  	_ =	strace s3  }
0x95: {  	s3 =	sld [smem:$0x3FFD];
	_ =	sdelay $0x3  }
0x96: {  	_ =	strace s3  }
0x97: {  	_ =	strace $0x8FFFFFFF  }
0x98: {  	s19 =	sld [smem:$0x3FDB];
	_ =	sdelay $0x1  }
0x99: {  	s4 =	simm.s32 $_scs_section_size  }
0x9a: {  	s5 =	simm.s32 $_size__tile_overlayer_lowered;
	s6 =	simm.s32 $_tile_overlayer_lowered  }
0x9b: {  	s22 =	simm.s32 $0x1BFF;
	s21 =	sshll.u32 s6, $0x1;
	s3 =	sadd.s32 s4, s19  }
0x9c: {  	s7 =	simm.s32 $0x0;
	s20 =	sshll.u32 s5, $0x1;
	s5 =	sadd.s32 s21, s3  }
0x9d: {  	[timem:s7], [sflag:s22] =	dma.local [hbm:s5], s20  }
0x9e: {  	_ =	swait.ge [sflag:s22], s20  }
0x9f: {  	s4 =	ssub.s32 $0x0, s20;
	[sflag:s22] =	ssyncset.done $0x0  }
0xa0: {  	[sflag:s22] =	ssyncadd.s32 s4;
	_ =	sdelay $0x1  }
0xa1: {  	s23 =	simm.s32 $0x1B8B  }
0xa2: {  	_ =	swait.ge [sflag:s23], $0x1  }
0xa3: {  	[sflag:s23] =	ssyncset.done $0x0  }
0xa4: {  	s25 =	simm.s32 $0x1B8E;
	s24 =	sld [smem:$0x3FFE];
	[sflag:s23] =	ssyncadd.s32 $0xFFFFFFFF  }
0xa5: {  	s26 =	simm.s32 $execute0_lowered;
	[smem:$0x3FD2] =	sst s25  }
0xa6: {  	s5 =	sshll.u32 s26, $0x1;
	_ =	strace $0x80000046;
	[dreg:$0x1] =	wrdreg $0xFFFFFFFF  }
0xa7: {  	s28 =	simm.s32 $_size_execute0_lowered;
	s3 =	sadd.s32 s3, s5;
	[dreg:$0x0] =	wrdreg $0x0  }
0xa8: {  	s5 =	sshll.u32 s28, $0x1;
	[dreg:$0x2] =	wrdreg s3  }
0xa9: {  	[dreg:$0x3] =	wrdreg s5  }
0xaa: {  	[dreg:$0x4] =	wrdreg $0xC0  }
0xab: {  	_ =	task [dreg:s7], $0x5FFFF  }
0xac: {  	[dreg:$0x1] =	wrdreg $0xFFFFFFFF  }
0xad: {  	[dreg:$0x0] =	wrdreg $0x60  }
0xae: {  	[dreg:$0x2] =	wrdreg s2  }
0xaf: {  	[dreg:$0x3] =	wrdreg s24  }
0xb0: {  	[dreg:$0x4] =	wrdreg $0x90000  }
0xb1: {  	[dreg:$0x5] =	wrdreg $0x9  }
0xb2: {  	_ =	task.clear_ibuf [dreg:s7], $0x6FFFF;
	_ =	strace $0x90000046  }
0xb3: {  	s29 =	simm.s32 $0x9;
	_ =	strace $0x80000048  }
0xb4: {  	_ =	swait.ge [sflag:s29], $0x1  }
0xb5: {  	[sflag:s29] =	ssyncadd.s32 $0xFFFFFFFF  }
0xb6: {  	_ =	strace $0x90000048  }
0xb7: {  	_ =	sfence  }
0xb8: {  	s30 =	sld [smem:$0x0];
	_ =	sdelay $0x2  }
0xb9: {  	s31 =	sshll.u32 s1, $0xD;
	s1 =	sshrl.u32 s1, $0x2  }
0xba: {  	s3 =	sand.u32 $0x4000, s31;
	s1 =	sadd.s32 s1, s30  }
0xbb: {  	s0 =	sor.u32 s3, s0;
	s1 =	sshll.u32 s1, $0x11  }
0xbc: {  	s0 =	sor.u32 s1, s0  }
0xbd: {  	s0 =	sadd.s32 $0x8F2B, s0  }
0xbe: {  	[sflag:s0] =	ssyncadd.remote.s32 $0x1  }
0xbf: {  	_ =	sfence.sel $0xFFFF  }
0xc0: {  	[dreg:$0x0] =	wrdreg $0xFFFFFFFF;
	(pc) =	sbr.abs _section_cstart, $3  }
0xc1: {  	[dreg:$0x1] =	wrdreg $0xFFFFFFFF  }
0xc2: {  	_ =	task.clear_ibuf [dreg:s7], $0x2FFFF;
	_ =	strace $0x9FFFFFFF  }
0xc3: {  	(tm) =	ssettm $0x7FFFFFFF  }
tec
execute0_lowered:
.L_overlay_start_1:
0x0: {  	(tag) =	ssettag $0x1  }
0x1: {  	s1 =	rddreg [dreg:$0x0]  }
0x2: {  	s0 =	rddreg [dreg:$0x1]  }
0x3: {  	s2 =	rddreg [dreg:$0x2];
	s4 =	simm.s32 $0x0;
	s3 =	srdreg.scid  }
0x4: {  	s10 =	stileid.u32;
	s29 =	simm.s32 $0x2;
	s13 =	simm.s32 $0x4  }
0x5: {  	s28 =	simm.s32 $0xD00;
	s30 =	simm.s32 $0x600;
	s6 =	smul.u32 $0x4E200, s10  }
0x6: {  	s31 =	simm.s32 $0xD80;
	[smem:$0x7FF] =	sst s4;
	s16 =	smul.u32 $0x13800, s10  }
0x7: {  	s3 =	sand.u32 $0x1, s3;
	s7 =	sadd.s32 $0x1A00, s0;
	s21 =	smul.u32 $0x4E000, s10  }
0x8: {  	s0 =	sadd.s32 $0x15A00, s0;
	s24 =	smul.u32 $0x500, s10;
	p0 =	seq.s32 s10, $0xF  }
0x9: {  	_ =	strace $0x80000047;
	s5 =	sshll.u32 s3, $0x4;
	s14 =	smul.u32 $0x138800, s3  }
0xa: {  	s8 =	ssub.s32 $0x2, s3;
	s3 =	smul.u32 $0x5000, s3;
	s5 =	sor.u32 s10, s5  }
0xb: {  	s6 =	sshrl.u32 s6, $0x2;
	s9 =	sshrl.u32 s8, $0x1;
	s23 =	sshrl.u32 s21, $0x2  }
0xc: {  	s21 =	simm.s32 $0x5000;
	s10 =	simm.s32 $0x3;
	s5 =	smul.u32 $0x2800, s5  }
0xd: {  	s11 =	sadd.s32 s6, s2;
	s8 =	ssub.s32 s8, s9;
	s19 =	sadd.s32 s16, s14  }
0xe: {  	s22 =	sshrl.u32 s14, $0x3;
	s6 =	sadd.s32 s23, s2;
	s25 =	sadd.s32 s3, s7  }
0xf: {  	s3 =	sadd.s32 $0x124800, s2;
	s15 =	sadd.s32 $0x3E80, s11;
	[dreg:$0x4] =	wrdreg s11  }
0x10: {  	s16 =	simm.s32 $0x1000;
	s12 =	sadd.s32 $0x7D00, s11;
	[dreg:$0x5] =	wrdreg s15  }
0x11: {  	s23 =	simm.s32 $0xC00;
	s17 =	sadd.s32 $0xBB80, s11;
	[dreg:$0x6] =	wrdreg s12  }
0x12: {  	s9 =	simm.s32 $0xF80;
	s11 =	sadd.s32 $0xFA00, s11;
	[dreg:$0x7] =	wrdreg s17  }
0x13: {  	s14 =	simm.s32 $0x0;
	s26 =	smax.u32 s8, $0x1;
	[dreg:$0x8] =	wrdreg s11  }
0x14: {  	s8 =	simm.s32 $0x780;
	s5 =	sshrl.u32 s5, $0x3;
	[dreg:$0xd] =	wrdreg s26  }
0x15: {  	s15 =	sadd.s32 s24, s25;
	s17 =	simm.s32 $0x5;
	s26 =	simm.s32 $0x1  }
0x16: {  	s18 =	sadd.s32 s7, s5;
	s5 =	sshrl.u32 s19, $0x3;
	s19 =	simm.s32 $0x7D  }
0x17: {  	s7 =	simm.s32 $0xE80;
	[dreg:$0x9] =	wrdreg s18;
	s20 =	sadd.s32 $0xA000, s18  }
0x18: {  	s5 =	sadd.s32 s0, s5;
	s0 =	sadd.s32 s0, s22;
	s22 =	simm.s32 $0x400  }
.Ltmp0:
0x19: {  	s18 =	simm.s32 $0x580;
	[dreg:$0xa] =	wrdreg s20;
	(pc) =	sbr.rel .LBB2_1-.Ltmp0, $4  }
0x1a: {  	[dreg:$0xb] =	wrdreg s5;
	s0 =	sadd.s32 $0x24900, s0;
	s5 =	simm.s32 $0x500  }
0x1b: {  	s20 =	simm.s32 $0xC80;
	[dreg:$0xc] =	wrdreg s0;
	s0 =	sshrl.u32 @p0 s3, $0x3  }
0x1c: {  	s3 =	simm.s32 $0xE00;
	[dreg:$0xe] =	wrdreg s0;
	s0 =	sshrl.u32 @!p0 s6, $0x3  }
0x1d: {  	v0 =	vimm.f32 $0.0e+00;
	s6 =	simm.s32 $0x700;
	[dreg:$0xf] =	wrdreg s0;
	s0 =	simm.s32 $0x680  }
.LBB2_6:
0x1e: {  	[bflag:$0x0] =	sbarrier.arrive $0xFFFF  }
0x1f: {  	s12 =	rddreg [dreg:$0xc]  }
0x20: {  	s11 =	simm.s32 @p0 $0x1FC5;
	s14 =	rddreg [dreg:$0xe]  }
0x21: {  	[hbm:s12], [sflag:s11] =	dma.local @p0 [spmem:s14], $0x2800  }
0x22: {  	s11 =	simm.s32 @p0 $0x5  }
0x23: {  	s12 =	stileid.u32;
	_ =	swait.ge @p0 [sflag:s11], $0x2800  }
0x24: {  	s12 =	sshll.u32 @!p0 s12, $0x6;
	[sflag:s11] =	ssyncset.done @p0 $0x0;
	s14 =	rddreg [dreg:$0xf]  }
0x25: {  	[sflag:s11] =	ssyncadd.s32 @p0 $0xFFFFD800;
	s11 =	sor.u32 @!p0 $0x1C05, s12;
	s12 =	rddreg [dreg:$0xb]  }
0x26: {  	[hbm:s12], [sflag:s11] =	dma.local @!p0 [spmem:s14], $0x2700  }
0x27: {  	s11 =	simm.s32 @!p0 $0x5  }
0x28: {  	_ =	swait.ge @!p0 [sflag:s11], $0x2700  }
0x29: {  	s24 =	rddreg [dreg:$0x10]  }
0x2a: {  	s25 =	rddreg [dreg:$0xd];
	s14 =	sadd.s32 $0x1, s24  }
0x2b: {  	p1 =	sne.s32 s14, s25  }
.Ltmp1:
0x2c: {  	_ = 	snop;
	(pc) =	sbr.rel @!p1 .LBB2_7-.Ltmp1, $3  }
0x2d: {  	_ =	sdelay $0x1  }
0x2e: {  	[sflag:s11] =	ssyncset.done @!p0 $0x0  }
0x2f: {  	[sflag:s11] =	ssyncadd.s32 @!p0 $0xFFFFD900  }
.LBB2_1:
0x30: {  	[dreg:$0x10] =	wrdreg s14;
	s11 =	simm.s32 $0x0;
	s12 =	simm.s32 $0x200  }
.LBB2_2:
0x31: {  	p1 =	sne.s32 s12, $0xF800;
	[tilespmem:s11+$0x1070] =	vst v0  }
0x32: {  	[tilespmem:s11+$0x1000] =	vst v0  }
0x33: {  	[tilespmem:s11+$0x1010] =	vst v0  }
.Ltmp2:
0x34: {  	[tilespmem:s11+$0x1020] =	vst v0;
	(pc) =	sbr.rel @p1 .LBB2_2-.Ltmp2, $4  }
0x35: {  	[tilespmem:s11+$0x1030] =	vst v0  }
0x36: {  	[tilespmem:s11+$0x1040] =	vst v0  }
0x37: {  	[tilespmem:s11+$0x1050] =	vst v0  }
0x38: {  	[tilespmem:s11+$0x1060] =	vst v0;
	s11 =	sshra.s32 s12, $0x2;
	s12 =	sadd.s32 $0x200, s12  }
0x39: {  	[tilespmem:s11+$0x1070] =	vst v0  }
0x3a: {  	[tilespmem:s11+$0x1000] =	vst v0  }
0x3b: {  	[tilespmem:s11+$0x1010] =	vst v0  }
0x3c: {  	[tilespmem:s11+$0x1020] =	vst v0  }
0x3d: {  	[tilespmem:s11+$0x1030] =	vst v0  }
0x3e: {  	[tilespmem:s11+$0x1040] =	vst v0  }
0x3f: {  	[tilespmem:s11+$0x1050] =	vst v0  }
0x40: {  	[tilespmem:s11+$0x1060] =	vst v0;
	s14 =	rddreg [dreg:$0x4]  }
0x41: {  	[spmem:s14] =	stream.linear.scatter [tilespmem:s16], [sflag:$0x5], $0x3E80, $0x38;
	[tilespmem:$0x1C880] =	vst v63  }
0x42: {  	_ =	swait.ge [sflag:s17], $0x3E80  }
0x43: {  	[sflag:s17] =	ssyncset.done $0x0  }
0x44: {  	s24 =	rddreg [dreg:$0x5];
	[sflag:s17] =	ssyncadd.s32 $0xFFFFC180  }
0x45: {  	[spmem:s24] =	stream.linear.scatter [tilespmem:s16], [sflag:$0x5], $0x3E80, $0x38;
	[tilespmem:$0x1C880] =	vst v63  }
0x46: {  	_ =	swait.ge [sflag:s17], $0x3E80  }
0x47: {  	[sflag:s17] =	ssyncset.done $0x0  }
0x48: {  	s25 =	rddreg [dreg:$0x6];
	[sflag:s17] =	ssyncadd.s32 $0xFFFFC180  }
0x49: {  	[spmem:s25] =	stream.linear.scatter [tilespmem:s16], [sflag:$0x5], $0x3E80, $0x38;
	[tilespmem:$0x1C880] =	vst v63  }
0x4a: {  	_ =	swait.ge [sflag:s17], $0x3E80  }
0x4b: {  	[sflag:s17] =	ssyncset.done $0x0  }
0x4c: {  	s12 =	rddreg [dreg:$0x7];
	[sflag:s17] =	ssyncadd.s32 $0xFFFFC180  }
0x4d: {  	[spmem:s12] =	stream.linear.scatter [tilespmem:s16], [sflag:$0x5], $0x3E80, $0x38;
	[tilespmem:$0x1C880] =	vst v63  }
0x4e: {  	_ =	swait.ge [sflag:s17], $0x3E80  }
0x4f: {  	[sflag:s17] =	ssyncset.done $0x0  }
0x50: {  	s14 =	rddreg [dreg:$0x8];
	[sflag:s17] =	ssyncadd.s32 $0xFFFFC180  }
0x51: {  	[spmem:s14] =	stream.linear.scatter [tilespmem:s16], [sflag:$0x5], $0x3E80, $0x38;
	[tilespmem:$0x1C880] =	vst v63  }
0x52: {  	_ =	swait.ge [sflag:s17], $0x3E80  }
0x53: {  	[sflag:s17] =	ssyncset.done $0x0  }
0x54: {  	[sflag:s17] =	ssyncadd.s32 $0xFFFFC180  }
0x55: {  	[bflag:$0x0] =	sbarrier.arrive $0xFFFF  }
0x56: {  	s11 =	simm.s32 $0x0;
	s12 =	rddreg [dreg:$0x9]  }
0x57: {  	[tilespmem:s11], [sflag:$0x5] =	stream.linear.gather [hbm4b:s12+s11], $0x400, $0x38;
	[tilespmem:$0x1C880] =	vst v63  }
0x58: {  	_ =	swait.ge [sflag:s17], $0x400  }
0x59: {  	[sflag:s17] =	ssyncset.done $0x0  }
0x5a: {  	s14 =	simm.s32 $0x800;
	s24 =	rddreg [dreg:$0xa];
	[sflag:s17] =	ssyncadd.s32 $0xFFFFFC00  }
0x5b: {  	[tilespmem:s14], [sflag:$0x5] =	stream.linear.gather [hbm4b:s24+s11], $0x400, $0x38;
	[tilespmem:$0x1C880] =	vst v63  }
0x5c: {  	_ =	swait.ge [sflag:s17], $0x400  }
0x5d: {  	[sflag:s17] =	ssyncset.done $0x0  }
0x5e: {  	[sflag:s17] =	ssyncadd.s32 $0xFFFFFC00  }
0x5f: {  	[tilespmem:s16], [sflag:$0x1] =	stream.indirect.gather [hbm4b:s1+s19], $0x80, s11, s19, $0xb8;
	[tilespmem:$0x1C880] =	vst v63  }
0x60: {  	s25 =	simm.s32 $0x80  }
0x61: {  	[tilespmem:s21], [sflag:$0x2] =	stream.indirect.gather [hbm4b:s1+s19], $0x80, s25, s19, $0xb8;
	[tilespmem:$0x1C880] =	vst v63  }
.LBB2_4:
0x62: {  	s12 =	sadd.s32 s11, s15  }
0x63: {  	s14 =	sadd.s32 $0x80, s12  }
0x64: {  	[tilespmem:s22], [sflag:$0x3] =	stream.linear.gather [hbm4b:s14+s4], $0x400, $0x38;
	[tilespmem:$0x1C880] =	vst v63  }
0x65: {  	s12 =	sadd.s32 $0xA080, s12  }
0x66: {  	[tilespmem:s23], [sflag:$0x4] =	stream.linear.gather [hbm4b:s12+s4], $0x400, $0x38;
	[tilespmem:$0x1C880] =	vst v63  }
0x67: {  	_ =	swait.ge [sflag:s26], $0x3E80  }
0x68: {  	[sflag:s26] =	ssyncset.done $0x0  }
0x69: {  	s14 =	simm.s32 $0x800;
	[sflag:s26] =	ssyncadd.s32 $0xFFFFC180  }
0x6a: {  	[spmem:s2] =	stream.indirect.scatter.add.f32 [tilespmem:s16], [sflag:$0x5], $0x80, s14, s19, $0xb8;
	[tilespmem:$0x1C880] =	vst v63  }
0x6b: {  	_ =	swait.ge [sflag:s17], $0x3E80  }
0x6c: {  	[sflag:s17] =	ssyncset.done $0x0  }
0x6d: {  	s24 =	simm.s32 $0x100;
	[sflag:s17] =	ssyncadd.s32 $0xFFFFC180  }
0x6e: {  	[tilespmem:s16], [sflag:$0x1] =	stream.indirect.gather [hbm4b:s1+s19], $0x80, s24, s19, $0xb8;
	[tilespmem:$0x1C880] =	vst v63  }
0x6f: {  	_ =	swait.ge [sflag:s29], $0x3E80  }
0x70: {  	[sflag:s29] =	ssyncset.done $0x0  }
0x71: {  	s25 =	simm.s32 $0x880;
	[sflag:s29] =	ssyncadd.s32 $0xFFFFC180  }
0x72: {  	[spmem:s2] =	stream.indirect.scatter.add.f32 [tilespmem:s21], [sflag:$0x5], $0x80, s25, s19, $0xb8;
	[tilespmem:$0x1C880] =	vst v63  }
0x73: {  	_ =	swait.ge [sflag:s17], $0x3E80  }
0x74: {  	[sflag:s17] =	ssyncset.done $0x0  }
0x75: {  	s14 =	simm.s32 $0x180;
	[sflag:s17] =	ssyncadd.s32 $0xFFFFC180  }
0x76: {  	[tilespmem:s21], [sflag:$0x2] =	stream.indirect.gather [hbm4b:s1+s19], $0x80, s14, s19, $0xb8;
	[tilespmem:$0x1C880] =	vst v63  }
0x77: {  	_ =	swait.ge [sflag:s26], $0x3E80  }
0x78: {  	[sflag:s26] =	ssyncset.done $0x0  }
0x79: {  	s24 =	simm.s32 $0x900;
	[sflag:s26] =	ssyncadd.s32 $0xFFFFC180  }
0x7a: {  	[spmem:s2] =	stream.indirect.scatter.add.f32 [tilespmem:s16], [sflag:$0x5], $0x80, s24, s19, $0xb8;
	[tilespmem:$0x1C880] =	vst v63  }
0x7b: {  	_ =	swait.ge [sflag:s17], $0x3E80  }
0x7c: {  	[sflag:s17] =	ssyncset.done $0x0  }
0x7d: {  	s25 =	simm.s32 $0x200;
	[sflag:s17] =	ssyncadd.s32 $0xFFFFC180  }
0x7e: {  	[tilespmem:s16], [sflag:$0x1] =	stream.indirect.gather [hbm4b:s1+s19], $0x80, s25, s19, $0xb8;
	[tilespmem:$0x1C880] =	vst v63  }
0x7f: {  	_ =	swait.ge [sflag:s29], $0x3E80  }
0x80: {  	[sflag:s29] =	ssyncset.done $0x0  }
0x81: {  	s14 =	simm.s32 $0x980;
	[sflag:s29] =	ssyncadd.s32 $0xFFFFC180  }
0x82: {  	[spmem:s2] =	stream.indirect.scatter.add.f32 [tilespmem:s21], [sflag:$0x5], $0x80, s14, s19, $0xb8;
	[tilespmem:$0x1C880] =	vst v63  }
0x83: {  	_ =	swait.ge [sflag:s17], $0x3E80  }
0x84: {  	[sflag:s17] =	ssyncset.done $0x0  }
0x85: {  	s24 =	simm.s32 $0x280;
	[sflag:s17] =	ssyncadd.s32 $0xFFFFC180  }
0x86: {  	[tilespmem:s21], [sflag:$0x2] =	stream.indirect.gather [hbm4b:s1+s19], $0x80, s24, s19, $0xb8;
	[tilespmem:$0x1C880] =	vst v63  }
0x87: {  	_ =	swait.ge [sflag:s26], $0x3E80  }
0x88: {  	[sflag:s26] =	ssyncset.done $0x0  }
0x89: {  	s25 =	simm.s32 $0xA00;
	[sflag:s26] =	ssyncadd.s32 $0xFFFFC180  }
0x8a: {  	[spmem:s2] =	stream.indirect.scatter.add.f32 [tilespmem:s16], [sflag:$0x5], $0x80, s25, s19, $0xb8;
	[tilespmem:$0x1C880] =	vst v63  }
0x8b: {  	_ =	swait.ge [sflag:s17], $0x3E80  }
0x8c: {  	[sflag:s17] =	ssyncset.done $0x0  }
0x8d: {  	s14 =	simm.s32 $0x300;
	[sflag:s17] =	ssyncadd.s32 $0xFFFFC180  }
0x8e: {  	[tilespmem:s16], [sflag:$0x1] =	stream.indirect.gather [hbm4b:s1+s19], $0x80, s14, s19, $0xb8;
	[tilespmem:$0x1C880] =	vst v63  }
0x8f: {  	_ =	swait.ge [sflag:s29], $0x3E80  }
0x90: {  	[sflag:s29] =	ssyncset.done $0x0  }
0x91: {  	s24 =	simm.s32 $0xA80;
	[sflag:s29] =	ssyncadd.s32 $0xFFFFC180  }
0x92: {  	[spmem:s2] =	stream.indirect.scatter.add.f32 [tilespmem:s21], [sflag:$0x5], $0x80, s24, s19, $0xb8;
	[tilespmem:$0x1C880] =	vst v63  }
0x93: {  	_ =	swait.ge [sflag:s17], $0x3E80  }
0x94: {  	[sflag:s17] =	ssyncset.done $0x0  }
0x95: {  	s25 =	simm.s32 $0x380;
	[sflag:s17] =	ssyncadd.s32 $0xFFFFC180  }
0x96: {  	[tilespmem:s21], [sflag:$0x2] =	stream.indirect.gather [hbm4b:s1+s19], $0x80, s25, s19, $0xb8;
	[tilespmem:$0x1C880] =	vst v63  }
0x97: {  	_ =	swait.ge [sflag:s10], $0x400  }
0x98: {  	[sflag:s10] =	ssyncset.done $0x0  }
0x99: {  	[sflag:s10] =	ssyncadd.s32 $0xFFFFFC00  }
0x9a: {  	_ =	swait.ge [sflag:s13], $0x400  }
0x9b: {  	[sflag:s13] =	ssyncset.done $0x0  }
0x9c: {  	[sflag:s13] =	ssyncadd.s32 $0xFFFFFC00  }
0x9d: {  	_ =	swait.ge [sflag:s26], $0x3E80  }
0x9e: {  	[sflag:s26] =	ssyncset.done $0x0  }
0x9f: {  	s14 =	simm.s32 $0xB00;
	[sflag:s26] =	ssyncadd.s32 $0xFFFFC180  }
0xa0: {  	[spmem:s2] =	stream.indirect.scatter.add.f32 [tilespmem:s16], [sflag:$0x5], $0x80, s14, s19, $0xb8;
	[tilespmem:$0x1C880] =	vst v63  }
0xa1: {  	_ =	swait.ge [sflag:s17], $0x3E80  }
0xa2: {  	[sflag:s17] =	ssyncset.done $0x0  }
0xa3: {  	[sflag:s17] =	ssyncadd.s32 $0xFFFFC180  }
0xa4: {  	[tilespmem:s16], [sflag:$0x1] =	stream.indirect.gather [hbm4b:s1+s19], $0x80, s22, s19, $0xb8;
	[tilespmem:$0x1C880] =	vst v63  }
0xa5: {  	_ =	swait.ge [sflag:s29], $0x3E80  }
0xa6: {  	[sflag:s29] =	ssyncset.done $0x0  }
0xa7: {  	s24 =	simm.s32 $0xB80;
	[sflag:s29] =	ssyncadd.s32 $0xFFFFC180  }
0xa8: {  	[spmem:s2] =	stream.indirect.scatter.add.f32 [tilespmem:s21], [sflag:$0x5], $0x80, s24, s19, $0xb8;
	[tilespmem:$0x1C880] =	vst v63  }
0xa9: {  	_ =	swait.ge [sflag:s17], $0x3E80  }
0xaa: {  	p1 =	seq.s32 s11, $0x400;
	[sflag:s17] =	ssyncset.done $0x0  }
0xab: {  	s25 =	simm.s32 $0x480;
	s14 =	sadd.s32 @!p1 s11, s15;
	[sflag:s17] =	ssyncadd.s32 $0xFFFFC180  }
0xac: {  	[tilespmem:s21], [sflag:$0x2] =	stream.indirect.gather [hbm4b:s1+s19], $0x80, s25, s19, $0xb8;
	[tilespmem:$0x1C880] =	vst v63  }
0xad: {  	s12 =	simm.s32 @!p1 $0x0;
	s24 =	sadd.s32 @!p1 $0x100, s14  }
0xae: {  	[tilespmem:s12], [sflag:$0x3] =	stream.linear.gather @!p1 [hbm4b:s24+s12], $0x400, $0x38;
	[tilespmem:$0x1C880] =	vst v63  }
0xaf: {  	s14 =	sadd.s32 @!p1 $0xA100, s14;
	s24 =	simm.s32 @!p1 $0x800  }
0xb0: {  	[tilespmem:s24], [sflag:$0x4] =	stream.linear.gather @!p1 [hbm4b:s14+s12], $0x400, $0x38;
	[tilespmem:$0x1C880] =	vst v63  }
0xb1: {  	_ =	swait.ge [sflag:s26], $0x3E80  }
0xb2: {  	[sflag:s26] =	ssyncset.done $0x0  }
0xb3: {  	[sflag:s26] =	ssyncadd.s32 $0xFFFFC180  }
0xb4: {  	[spmem:s2] =	stream.indirect.scatter.add.f32 [tilespmem:s16], [sflag:$0x5], $0x80, s23, s19, $0xb8;
	[tilespmem:$0x1C880] =	vst v63  }
0xb5: {  	_ =	swait.ge [sflag:s17], $0x3E80  }
0xb6: {  	[sflag:s17] =	ssyncset.done $0x0  }
0xb7: {  	[sflag:s17] =	ssyncadd.s32 $0xFFFFC180  }
0xb8: {  	[tilespmem:s16], [sflag:$0x1] =	stream.indirect.gather [hbm4b:s1+s19], $0x80, s5, s19, $0xb8;
	[tilespmem:$0x1C880] =	vst v63  }
0xb9: {  	_ =	swait.ge [sflag:s29], $0x3E80  }
0xba: {  	[sflag:s29] =	ssyncset.done $0x0  }
0xbb: {  	[sflag:s29] =	ssyncadd.s32 $0xFFFFC180  }
0xbc: {  	[spmem:s2] =	stream.indirect.scatter.add.f32 [tilespmem:s21], [sflag:$0x5], $0x80, s20, s19, $0xb8;
	[tilespmem:$0x1C880] =	vst v63  }
0xbd: {  	_ =	swait.ge [sflag:s17], $0x3E80  }
0xbe: {  	[sflag:s17] =	ssyncset.done $0x0  }
0xbf: {  	[sflag:s17] =	ssyncadd.s32 $0xFFFFC180  }
0xc0: {  	[tilespmem:s21], [sflag:$0x2] =	stream.indirect.gather [hbm4b:s1+s19], $0x80, s18, s19, $0xb8;
	[tilespmem:$0x1C880] =	vst v63  }
0xc1: {  	_ =	swait.ge [sflag:s26], $0x3E80  }
0xc2: {  	[sflag:s26] =	ssyncset.done $0x0  }
0xc3: {  	[sflag:s26] =	ssyncadd.s32 $0xFFFFC180  }
0xc4: {  	[spmem:s2] =	stream.indirect.scatter.add.f32 [tilespmem:s16], [sflag:$0x5], $0x80, s28, s19, $0xb8;
	[tilespmem:$0x1C880] =	vst v63  }
0xc5: {  	_ =	swait.ge [sflag:s17], $0x3E80  }
0xc6: {  	[sflag:s17] =	ssyncset.done $0x0  }
0xc7: {  	[sflag:s17] =	ssyncadd.s32 $0xFFFFC180  }
0xc8: {  	[tilespmem:s16], [sflag:$0x1] =	stream.indirect.gather [hbm4b:s1+s19], $0x80, s30, s19, $0xb8;
	[tilespmem:$0x1C880] =	vst v63  }
0xc9: {  	_ =	swait.ge [sflag:s29], $0x3E80  }
0xca: {  	[sflag:s29] =	ssyncset.done $0x0  }
0xcb: {  	[sflag:s29] =	ssyncadd.s32 $0xFFFFC180  }
0xcc: {  	[spmem:s2] =	stream.indirect.scatter.add.f32 [tilespmem:s21], [sflag:$0x5], $0x80, s31, s19, $0xb8;
	[tilespmem:$0x1C880] =	vst v63  }
0xcd: {  	_ =	swait.ge [sflag:s17], $0x3E80  }
0xce: {  	[sflag:s17] =	ssyncset.done $0x0  }
0xcf: {  	[sflag:s17] =	ssyncadd.s32 $0xFFFFC180  }
0xd0: {  	[tilespmem:s21], [sflag:$0x2] =	stream.indirect.gather [hbm4b:s1+s19], $0x80, s0, s19, $0xb8;
	[tilespmem:$0x1C880] =	vst v63  }
0xd1: {  	_ =	swait.ge [sflag:s26], $0x3E80  }
0xd2: {  	[sflag:s26] =	ssyncset.done $0x0  }
0xd3: {  	[sflag:s26] =	ssyncadd.s32 $0xFFFFC180  }
0xd4: {  	[spmem:s2] =	stream.indirect.scatter.add.f32 [tilespmem:s16], [sflag:$0x5], $0x80, s3, s19, $0xb8;
	[tilespmem:$0x1C880] =	vst v63  }
0xd5: {  	_ =	swait.ge [sflag:s17], $0x3E80  }
0xd6: {  	[sflag:s17] =	ssyncset.done $0x0  }
0xd7: {  	[sflag:s17] =	ssyncadd.s32 $0xFFFFC180  }
0xd8: {  	[tilespmem:s16], [sflag:$0x1] =	stream.indirect.gather [hbm4b:s1+s19], $0x80, s6, s19, $0xb8;
	[tilespmem:$0x1C880] =	vst v63  }
0xd9: {  	_ =	swait.ge [sflag:s29], $0x3E80  }
0xda: {  	[sflag:s29] =	ssyncset.done $0x0  }
0xdb: {  	[sflag:s29] =	ssyncadd.s32 $0xFFFFC180  }
0xdc: {  	[spmem:s2] =	stream.indirect.scatter.add.f32 [tilespmem:s21], [sflag:$0x5], $0x80, s7, s19, $0xb8;
	[tilespmem:$0x1C880] =	vst v63  }
0xdd: {  	_ =	swait.ge [sflag:s17], $0x3E80  }
0xde: {  	[sflag:s17] =	ssyncset.done $0x0  }
0xdf: {  	s14 =	simm.s32 @p1 $0x1;
	[sflag:s17] =	ssyncadd.s32 $0xFFFFC180  }
0xe0: {  	[tilespmem:s21], [sflag:$0x2] =	stream.indirect.gather [hbm4b:s1+s19], $0x80, s8, s19, $0xb8;
	[tilespmem:$0x1C880] =	vst v63  }
0xe1: {  	_ =	swait.ge @p1 [sflag:s14], $0x3E80  }
0xe2: {  	s25 =	simm.s32 @p1 $0x1000;
	[sflag:s14] =	ssyncset.done @p1 $0x0  }
0xe3: {  	s24 =	simm.s32 @p1 $0xF00;
	[sflag:s14] =	ssyncadd.s32 @p1 $0xFFFFC180;
	s14 =	simm.s32 @p1 $0x7D  }
0xe4: {  	[spmem:s2] =	stream.indirect.scatter.add.f32 @p1 [tilespmem:s25], [sflag:$0x5], $0x80, s24, s14, $0xb8;
	[tilespmem:$0x1C880] =	vst v63  }
0xe5: {  	s14 =	simm.s32 @p1 $0x5  }
0xe6: {  	_ =	swait.ge @p1 [sflag:s14], $0x3E80  }
0xe7: {  	[sflag:s14] =	ssyncset.done @p1 $0x0  }
0xe8: {  	[sflag:s14] =	ssyncadd.s32 @p1 $0xFFFFC180;
	s14 =	simm.s32 @!p1 $0x3  }
0xe9: {  	_ =	swait.ge @!p1 [sflag:s14], $0x400  }
0xea: {  	[sflag:s14] =	ssyncset.done @!p1 $0x0  }
0xeb: {  	[sflag:s14] =	ssyncadd.s32 @!p1 $0xFFFFFC00;
	s14 =	simm.s32 @!p1 $0x4  }
0xec: {  	_ =	swait.ge @!p1 [sflag:s14], $0x400  }
0xed: {  	[sflag:s14] =	ssyncset.done @!p1 $0x0  }
0xee: {  	[sflag:s14] =	ssyncadd.s32 @!p1 $0xFFFFFC00;
	s14 =	simm.s32 @!p1 $0x1  }
0xef: {  	_ =	swait.ge @!p1 [sflag:s14], $0x3E80  }
0xf0: {  	s24 =	simm.s32 @!p1 $0xF00;
	[sflag:s14] =	ssyncset.done @!p1 $0x0  }
0xf1: {  	s25 =	simm.s32 @!p1 $0x1000;
	[sflag:s14] =	ssyncadd.s32 @!p1 $0xFFFFC180;
	s14 =	simm.s32 @!p1 $0x7D  }
0xf2: {  	[spmem:s2] =	stream.indirect.scatter.add.f32 @!p1 [tilespmem:s25], [sflag:$0x5], $0x80, s24, s14, $0xb8;
	[tilespmem:$0x1C880] =	vst v63  }
0xf3: {  	s24 =	simm.s32 @!p1 $0x5  }
0xf4: {  	_ =	swait.ge @!p1 [sflag:s24], $0x3E80  }
0xf5: {  	[sflag:s24] =	ssyncset.done @!p1 $0x0  }
0xf6: {  	[sflag:s24] =	ssyncadd.s32 @!p1 $0xFFFFC180  }
0xf7: {  	[tilespmem:s25], [sflag:$0x1] =	stream.indirect.gather @!p1 [hbm4b:s1+s14], $0x80, s12, s14, $0xb8;
	[tilespmem:$0x1C880] =	vst v63  }
0xf8: {  	_ =	swait.ge [sflag:s29], $0x3E80  }
0xf9: {  	[sflag:s29] =	ssyncset.done $0x0  }
.Ltmp3:
0xfa: {  	[sflag:s29] =	ssyncadd.s32 $0xFFFFC180;
	(pc) =	sbr.rel @p1 .LBB2_6-.Ltmp3, $4  }
0xfb: {  	[spmem:s2] =	stream.indirect.scatter.add.f32 [tilespmem:s21], [sflag:$0x5], $0x80, s9, s19, $0xb8;
	[tilespmem:$0x1C880] =	vst v63  }
0xfc: {  	_ =	swait.ge [sflag:s17], $0x3E80  }
0xfd: {  	[sflag:s17] =	ssyncset.done $0x0  }
0xfe: {  	[sflag:s17] =	ssyncadd.s32 $0xFFFFC180  }
.Ltmp4:
0xff: {  	(pc) =	sbr.rel .LBB2_4-.Ltmp4, $3  }
0x100: {  	_ =	sdelay $0x1  }
0x101: {  	s12 =	simm.s32 $0x80;
	s11 =	sadd.s32 $0x100, s11  }
0x102: {  	[tilespmem:s21], [sflag:$0x2] =	stream.indirect.gather [hbm4b:s1+s19], $0x80, s12, s19, $0xb8;
	[tilespmem:$0x1C880] =	vst v63  }
.LBB2_7:
0x103: {  	_ =	sfence.sel $0x180000  }
0x104: {  	[bflag:$0x0] =	sbarrier.arrive $0xFFFF  }
0x105: {  	_ =	strace $0x90000047  }
0x106: {  	s0 =	stileid.u32;
	[bflag:$0x2] =	sbarrier.arrive $0xFFFF  }
0x107: {  	p0 =	sne.s32 s0, $0x0;
	s0 =	rddreg [dreg:$0x3]  }
0x108: {  	s0 =	sadd.s32 @!p0 $0x100000, s0  }
0x109: {  	[sflag:s0] =	ssyncadd.tile.s32 @!p0 $0x1;
	_ =	shalt  }
.Lfunc_end2:
_tile_overlayer_lowered:
.L_overlay_start_2:
0x10a: {  	(tag) =	ssettag $0x2  }
0x10b: {  	s0 =	rddreg [dreg:$0x0];
	s2 =	stileid.u32  }
0x10c: {  	s1 =	rddreg [dreg:$0x1];
	p0 =	sne.s32 s2, $0x0  }
0x10d: {  	s3 =	rddreg [dreg:$0x2];
	[bflag:$0x3] =	sbarrier.arrive $0xFFFF;
	s2 =	simm.s32 @!p0 $0x1C05  }
0x10e: {  	[timem:s3], [sflag:s2] =	dma.local @!p0 [hbm:s0], s1  }
0x10f: {  	s0 =	simm.s32 @!p0 $0x5  }
0x110: {  	_ =	swait.ge @!p0 [sflag:s0], s1  }
0x111: {  	s1 =	ssub.s32 @!p0 $0x0, s1;
	[sflag:s0] =	ssyncset.done @!p0 $0x0  }
0x112: {  	[sflag:s0] =	ssyncadd.s32 @!p0 s1  }
0x113: {  	[bflag:$0x3] =	sbarrier.arrive $0xFFFF  }
0x114: {  	_ =	shalt  }

</sc_bundles>
